<compile_context>
chip_gen: v7x
topology: tpu7x:2x2x1
jax: 0.10.2.dev20260603
libtpu: 0.0.44.dev20260713+nightly
codegen_flags: <defaults>
</compile_context>

<pallas_src>
import functools

import jax
import jax.numpy as jnp
from jax import lax
from jax.experimental import pallas as pl
from jax.experimental.pallas import tpu as pltpu
from jax.experimental.pallas import tpu_sc as plsc

D_MODEL = 64
D_PAD = 128
NH = 2
DH = D_MODEL // NH

NC = 2
NS = 16
NW = NC * NS

GS = (96, 104)
RW = 2
NB = 2


@jax.jit
def _gather_rows(w0, w1, x):
  n_rows, seq = x.shape
  r_per_w = n_rows // NW
  n_outer = r_per_w // (RW * NB)
  halves = (w0, w1)

  mesh = plsc.VectorSubcoreMesh(
      core_axis_name="c", subcore_axis_name="s", num_cores=NC, num_subcores=NS
  )

  @functools.partial(
      pl.kernel,
      mesh=mesh,
      compiler_params=pltpu.CompilerParams(use_tc_tiling_on_sc=False),
      out_type=jax.ShapeDtypeStruct((n_rows * seq, D_PAD), jnp.float32),
      scratch_types=(
          [pltpu.VMEM((r_per_w, seq), jnp.int32)]
          + [pltpu.VMEM((NB, RW * seq, DH), jnp.float32)] * NH
          + [pltpu.SemaphoreType.DMA] * (NH * (NB * RW * 2 + NB))
      ),
  )
  def k(t0_hbm, t1_hbm, idx_hbm, out_hbm, idx_v, *rest):
    rows_v = rest[:NH]
    sems = rest[NH:]
    tables = (t0_hbm, t1_hbm)
    gsem = [sems[hh * (NB * RW * 2):(hh + 1) * (NB * RW * 2)]
            for hh in range(NH)]
    osem = sems[NH * NB * RW * 2:]
    wid = lax.axis_index("s") * NC + lax.axis_index("c")
    base = wid * r_per_w
    pltpu.sync_copy(idx_hbm.at[pl.ds(base, r_per_w)], idx_v)

    def outer(i, carry):
      r0 = i * NB * RW
      for o in range(NB):
        @pl.when(i > 0)
        def _wait_out():
          for hh in range(NH):
            pltpu.make_async_copy(
                rows_v[hh].at[o],
                out_hbm.at[pl.ds((base + r0 + o * RW - NB * RW) * seq,
                                 RW * seq),
                           pl.ds(hh * DH, DH)],
                osem[hh * NB + o],
            ).wait()

        for j in range(RW):
          r = r0 + o * RW + j
          for h, (off, g) in enumerate(zip((0, GS[0]), GS)):
            for hh in range(NH):
              pltpu.async_copy(
                  tables[hh].at[idx_v.at[r, pl.ds(off, g)]],
                  rows_v[hh].at[o, pl.ds(j * seq + off, g)],
                  gsem[hh][(o * RW + j) * 2 + h])
      for o in range(NB):
        for j in range(RW):
          r = r0 + o * RW + j
          for h, (off, g) in enumerate(zip((0, GS[0]), GS)):
            for hh in range(NH):
              pltpu.make_async_copy(
                  tables[hh].at[idx_v.at[r, pl.ds(off, g)]],
                  rows_v[hh].at[o, pl.ds(j * seq + off, g)],
                  gsem[hh][(o * RW + j) * 2 + h]).wait()
        for hh in range(NH):
          pltpu.async_copy(
              rows_v[hh].at[o],
              out_hbm.at[pl.ds((base + r0 + o * RW) * seq, RW * seq),
                         pl.ds(hh * DH, DH)],
              osem[hh * NB + o])
      return carry

    lax.fori_loop(0, n_outer, outer, 0)
    for o in range(NB):
      for hh in range(NH):
        pltpu.make_async_copy(
            rows_v[hh].at[o],
            out_hbm.at[pl.ds((base + (n_outer - 1) * NB * RW + o * RW) * seq,
                             RW * seq),
                       pl.ds(hh * DH, DH)],
            osem[hh * NB + o],
        ).wait()

  return k(w0, w1, x)


def kernel(x, weight):
  n_rows, seq = x.shape
  xi = x.astype(jnp.int32)
  out128 = _gather_rows(weight[:, :DH], weight[:, DH:], xi)
  return out128[:, :D_MODEL].reshape(n_rows, seq, D_MODEL)

# --- scband reference (transcript-rebuilt; emitter-appended) ---
"""Pipeline reference for scband-my-embedding-37228776522004 (READ-ONLY COPY).

The authoritative reference and input builder live on the scoring server;
editing this copy changes nothing except your own understanding.
"""

import jax, jax.numpy as jnp
import numpy as np

N_VOCAB = 1000000
D_MODEL = 64

def setup_inputs(seed: int = 0) -> dict:
    key = jax.random.key(seed)
    k1, k2 = jax.random.split(key)
    x = jax.random.randint(k1, (4096, 200), 0, N_VOCAB, dtype=jnp.int64 if jax.config.jax_enable_x64 else jnp.int32)
    weight = 0.01 * jax.random.normal(k2, (N_VOCAB, D_MODEL), dtype=jnp.float32)
    return {"x": x, "weight": weight}

def reference(x, weight):
    # torch.index_select(weight, 0, x.view(-1)).view(x.shape + (d_model,))
    shape = x.shape + (D_MODEL,)
    result = jnp.take(weight, x.reshape(-1), axis=0).reshape(shape)
    return result

if __name__ == "__main__":
    import jax
    _d = setup_inputs()
    print(jax.jit(kernel)(*tuple(_d.values())))

</pallas_src>

<mosaic_0001>
#map = affine_map<(d0, d1) -> (0, 0)>
module attributes {stable_mosaic.version = 14 : i64} {
  func.func @k(%arg0: i32, %arg1: i32, %arg2: memref<1000000x32xf32, #tpu.memory_space<hbm>>, %arg3: memref<1000000x32xf32, #tpu.memory_space<hbm>>, %arg4: memref<4096x200xi32, #tpu.memory_space<hbm>>, %arg5: memref<819200x128xf32, #tpu.memory_space<hbm>>, %arg6: memref<128x200xi32, #tpu.memory_space<vmem>>, %arg7: memref<2x400x32xf32, #tpu.memory_space<vmem>>, %arg8: memref<2x400x32xf32, #tpu.memory_space<vmem>>, %arg9: memref<!tpu.dma_semaphore, #tpu.memory_space<semaphore_mem>>, %arg10: memref<!tpu.dma_semaphore, #tpu.memory_space<semaphore_mem>>, %arg11: memref<!tpu.dma_semaphore, #tpu.memory_space<semaphore_mem>>, %arg12: memref<!tpu.dma_semaphore, #tpu.memory_space<semaphore_mem>>, %arg13: memref<!tpu.dma_semaphore, #tpu.memory_space<semaphore_mem>>, %arg14: memref<!tpu.dma_semaphore, #tpu.memory_space<semaphore_mem>>, %arg15: memref<!tpu.dma_semaphore, #tpu.memory_space<semaphore_mem>>, %arg16: memref<!tpu.dma_semaphore, #tpu.memory_space<semaphore_mem>>, %arg17: memref<!tpu.dma_semaphore, #tpu.memory_space<semaphore_mem>>, %arg18: memref<!tpu.dma_semaphore, #tpu.memory_space<semaphore_mem>>, %arg19: memref<!tpu.dma_semaphore, #tpu.memory_space<semaphore_mem>>, %arg20: memref<!tpu.dma_semaphore, #tpu.memory_space<semaphore_mem>>, %arg21: memref<!tpu.dma_semaphore, #tpu.memory_space<semaphore_mem>>, %arg22: memref<!tpu.dma_semaphore, #tpu.memory_space<semaphore_mem>>, %arg23: memref<!tpu.dma_semaphore, #tpu.memory_space<semaphore_mem>>, %arg24: memref<!tpu.dma_semaphore, #tpu.memory_space<semaphore_mem>>, %arg25: memref<!tpu.dma_semaphore, #tpu.memory_space<semaphore_mem>>, %arg26: memref<!tpu.dma_semaphore, #tpu.memory_space<semaphore_mem>>, %arg27: memref<!tpu.dma_semaphore, #tpu.memory_space<semaphore_mem>>, %arg28: memref<!tpu.dma_semaphore, #tpu.memory_space<semaphore_mem>>) attributes {dimension_semantics = [#tpu.dimension_semantics<core_parallel>, #tpu.dimension_semantics<subcore_parallel>], iteration_bounds = array<i64: 2, 16>, scalar_prefetch = 0 : i64, scratch_operands = 23 : i64, tpu.core_type = #tpu.core_type<sc_vector_subcore>, window_params = [{transform_indices = #map}, {transform_indices = #map}, {transform_indices = #map}, {transform_indices = #map}]} {
    %mul3A = arith.constant 2 : i32
    %mul3A_0 = arith.muli %arg1, %mul3A : i32
    %add3A = arith.addi %mul3A_0, %arg0 : i32
    %mul3A_1 = arith.constant 128 : i32
    %mul3A_2 = arith.muli %add3A, %mul3A_1 : i32
    "tpu.region"() ({
      %run_scoped3A = tpu.sem_alloc : memref<!tpu.dma_semaphore, #tpu.memory_space<semaphore_mem>>
      %dma_start3A = arith.constant 0 : i32
      %dma_start3A_83 = tpu.memref_slice %arg4[%mul3A_2, %dma_start3A] : memref<4096x200xi32, #tpu.memory_space<hbm>> -> memref<128x200xi32, #tpu.memory_space<hbm>>
      %dma_start3A_84 = arith.constant 0 : i32
      %dma_start3A_85 = tpu.memref_slice %arg4[%mul3A_2, %dma_start3A_84] : memref<4096x200xi32, #tpu.memory_space<hbm>> -> memref<128x200xi32, #tpu.memory_space<hbm>>
      tpu.enqueue_dma source(%dma_start3A_85 : memref<128x200xi32, #tpu.memory_space<hbm>>) target(%arg6 : memref<128x200xi32, #tpu.memory_space<vmem>>) target_semaphore(%run_scoped3A : memref<!tpu.dma_semaphore, #tpu.memory_space<semaphore_mem>>)
      %dma_wait3A_86 = arith.constant 0 : i32
      %dma_wait3A_87 = tpu.memref_slice %arg4[%mul3A_2, %dma_wait3A_86] : memref<4096x200xi32, #tpu.memory_space<hbm>> -> memref<128x200xi32, #tpu.memory_space<hbm>>
      %dma_wait3A_88 = arith.constant 0 : i32
      %dma_wait3A_89 = tpu.memref_slice %arg4[%mul3A_2, %dma_wait3A_88] : memref<4096x200xi32, #tpu.memory_space<hbm>> -> memref<128x200xi32, #tpu.memory_space<hbm>>
      tpu.wait_dma2 semaphore(%run_scoped3A : memref<!tpu.dma_semaphore, #tpu.memory_space<semaphore_mem>>) src(%dma_wait3A_89 : memref<128x200xi32, #tpu.memory_space<hbm>>) dst(%arg6 : memref<128x200xi32, #tpu.memory_space<vmem>>)
      tpu.yield
    }) : () -> ()
    %scan3A = arith.constant 0 : i32
    %scan3A_3 = arith.constant 0 : i32
    %scan3A_4 = arith.constant 32 : i32
    %scan3A_5 = arith.addi %scan3A_3, %scan3A_4 : i32
    %scan3A_6 = arith.constant 1 : i32
    scf.for %scan3A_83 = %scan3A_3 to %scan3A_5 step %scan3A_6  : i32 {
      %mul3A_84 = arith.constant 2 : i32
      %mul3A_85 = arith.muli %scan3A_83, %mul3A_84 : i32
      %mul3A_86 = arith.constant 2 : i32
      %mul3A_87 = arith.muli %mul3A_85, %mul3A_86 : i32
      %gt3A = arith.constant 0 : i32
      %gt3A_88 = arith.cmpi sgt, %scan3A_83, %gt3A : i32
      %convert_element_type3A = arith.extui %gt3A_88 : i1 to i32
      %cond3A = arith.constant 0 : i32
      %cond3A_89 = arith.cmpi ne, %convert_element_type3A, %cond3A : i32
      scf.if %cond3A_89 {
        %add3A_550 = arith.addi %mul3A_2, %mul3A_87 : i32
        %add3A_551 = arith.constant 0 : i32
        %add3A_552 = arith.addi %add3A_550, %add3A_551 : i32
        %sub3A = arith.constant 4 : i32
        %sub3A_553 = arith.subi %add3A_552, %sub3A : i32
        %mul3A_554 = arith.constant 200 : i32
        %mul3A_555 = arith.muli %sub3A_553, %mul3A_554 : i32
        %dma_wait3A_556 = arith.constant 0 : i32
        %dma_wait3A_557 = arith.constant 0 : i32
        %dma_wait3A_558 = arith.constant 0 : i32
        %dma_wait3A_559 = tpu.memref_slice %arg7[%dma_wait3A_556, %dma_wait3A_557, %dma_wait3A_558] : memref<2x400x32xf32, #tpu.memory_space<vmem>> -> memref<1x400x32xf32, #tpu.memory_space<vmem>>
        %dma_wait3A_560 = tpu.memref_squeeze %dma_wait3A_559 : memref<1x400x32xf32, #tpu.memory_space<vmem>> -> memref<400x32xf32, #tpu.memory_space<vmem>>
        %dma_wait3A_561 = arith.constant 0 : i32
        %dma_wait3A_562 = tpu.memref_slice %arg5[%mul3A_555, %dma_wait3A_561] : memref<819200x128xf32, #tpu.memory_space<hbm>> -> memref<400x32xf32, #tpu.memory_space<hbm>>
        %dma_wait3A_563 = arith.constant 0 : i32
        %dma_wait3A_564 = tpu.memref_slice %arg5[%mul3A_555, %dma_wait3A_563] : memref<819200x128xf32, #tpu.memory_space<hbm>> -> memref<400x32xf32, #tpu.memory_space<hbm>>
        %dma_wait3A_565 = arith.constant 0 : i32
        %dma_wait3A_566 = arith.constant 0 : i32
        %dma_wait3A_567 = tpu.memref_slice %arg7[%dma_wait3A_556, %dma_wait3A_565, %dma_wait3A_566] : memref<2x400x32xf32, #tpu.memory_space<vmem>> -> memref<1x400x32xf32, #tpu.memory_space<vmem>>
        %dma_wait3A_568 = tpu.memref_squeeze %dma_wait3A_567 : memref<1x400x32xf32, #tpu.memory_space<vmem>> -> memref<400x32xf32, #tpu.memory_space<vmem>>
        tpu.wait_dma2 semaphore(%arg25 : memref<!tpu.dma_semaphore, #tpu.memory_space<semaphore_mem>>) src(%dma_wait3A_568 : memref<400x32xf32, #tpu.memory_space<vmem>>) dst(%dma_wait3A_564 : memref<400x32xf32, #tpu.memory_space<hbm>>)
        %add3A_569 = arith.addi %mul3A_2, %mul3A_87 : i32
        %add3A_570 = arith.constant 0 : i32
        %add3A_571 = arith.addi %add3A_569, %add3A_570 : i32
        %sub3A_572 = arith.constant 4 : i32
        %sub3A_573 = arith.subi %add3A_571, %sub3A_572 : i32
        %mul3A_574 = arith.constant 200 : i32
        %mul3A_575 = arith.muli %sub3A_573, %mul3A_574 : i32
        %dma_wait3A_576 = arith.constant 0 : i32
        %dma_wait3A_577 = arith.constant 0 : i32
        %dma_wait3A_578 = arith.constant 0 : i32
        %dma_wait3A_579 = tpu.memref_slice %arg8[%dma_wait3A_576, %dma_wait3A_577, %dma_wait3A_578] : memref<2x400x32xf32, #tpu.memory_space<vmem>> -> memref<1x400x32xf32, #tpu.memory_space<vmem>>
        %dma_wait3A_580 = tpu.memref_squeeze %dma_wait3A_579 : memref<1x400x32xf32, #tpu.memory_space<vmem>> -> memref<400x32xf32, #tpu.memory_space<vmem>>
        %dma_wait3A_581 = arith.constant 32 : i32
        %dma_wait3A_582 = tpu.memref_slice %arg5[%mul3A_575, %dma_wait3A_581] : memref<819200x128xf32, #tpu.memory_space<hbm>> -> memref<400x32xf32, #tpu.memory_space<hbm>>
        %dma_wait3A_583 = arith.constant 32 : i32
        %dma_wait3A_584 = tpu.memref_slice %arg5[%mul3A_575, %dma_wait3A_583] : memref<819200x128xf32, #tpu.memory_space<hbm>> -> memref<400x32xf32, #tpu.memory_space<hbm>>
        %dma_wait3A_585 = arith.constant 0 : i32
        %dma_wait3A_586 = arith.constant 0 : i32
        %dma_wait3A_587 = tpu.memref_slice %arg8[%dma_wait3A_576, %dma_wait3A_585, %dma_wait3A_586] : memref<2x400x32xf32, #tpu.memory_space<vmem>> -> memref<1x400x32xf32, #tpu.memory_space<vmem>>
        %dma_wait3A_588 = tpu.memref_squeeze %dma_wait3A_587 : memref<1x400x32xf32, #tpu.memory_space<vmem>> -> memref<400x32xf32, #tpu.memory_space<vmem>>
        tpu.wait_dma2 semaphore(%arg27 : memref<!tpu.dma_semaphore, #tpu.memory_space<semaphore_mem>>) src(%dma_wait3A_588 : memref<400x32xf32, #tpu.memory_space<vmem>>) dst(%dma_wait3A_584 : memref<400x32xf32, #tpu.memory_space<hbm>>)
      } else {
      }
      %add3A_90 = arith.constant 0 : i32
      %add3A_91 = arith.addi %mul3A_87, %add3A_90 : i32
      %add3A_92 = arith.constant 0 : i32
      %add3A_93 = arith.addi %add3A_91, %add3A_92 : i32
      %dma_start3A = arith.constant 0 : i32
      %dma_start3A_94 = arith.constant 0 : i32
      %dma_start3A_95 = arith.constant 0 : i32
      %dma_start3A_96 = tpu.memref_slice %arg7[%dma_start3A, %dma_start3A_94, %dma_start3A_95] : memref<2x400x32xf32, #tpu.memory_space<vmem>> -> memref<1x96x32xf32, #tpu.memory_space<vmem>>
      %dma_start3A_97 = tpu.memref_squeeze %dma_start3A_96 : memref<1x96x32xf32, #tpu.memory_space<vmem>> -> memref<96x32xf32, #tpu.memory_space<vmem>>
      %dma_start3A_98 = arith.constant 0 : i32
      %dma_start3A_99 = tpu.memref_slice %arg6[%add3A_93, %dma_start3A_98] : memref<128x200xi32, #tpu.memory_space<vmem>> -> memref<1x96xi32, #tpu.memory_space<vmem>>
      %dma_start3A_100 = tpu.memref_squeeze %dma_start3A_99 : memref<1x96xi32, #tpu.memory_space<vmem>> -> memref<96xi32, #tpu.memory_space<vmem>>
      %dma_start3A_101 = arith.constant 0 : i32
      %dma_start3A_102 = arith.constant 0 : i32
      %dma_start3A_103 = tpu.memref_slice %arg2[%dma_start3A_101, %dma_start3A_102] : memref<1000000x32xf32, #tpu.memory_space<hbm>> -> memref<1000000x32xf32, #tpu.memory_space<hbm>>
      tpu.enqueue_indirect_dma source(%dma_start3A_103 : memref<1000000x32xf32, #tpu.memory_space<hbm>>) target(%dma_start3A_97 : memref<96x32xf32, #tpu.memory_space<vmem>>) offsets(%dma_start3A_100 : memref<96xi32, #tpu.memory_space<vmem>>) semaphore(%arg9 : memref<!tpu.dma_semaphore, #tpu.memory_space<semaphore_mem>>)
      %dma_start3A_104 = arith.constant 0 : i32
      %dma_start3A_105 = arith.constant 0 : i32
      %dma_start3A_106 = arith.constant 0 : i32
      %dma_start3A_107 = tpu.memref_slice %arg8[%dma_start3A_104, %dma_start3A_105, %dma_start3A_106] : memref<2x400x32xf32, #tpu.memory_space<vmem>> -> memref<1x96x32xf32, #tpu.memory_space<vmem>>
      %dma_start3A_108 = tpu.memref_squeeze %dma_start3A_107 : memref<1x96x32xf32, #tpu.memory_space<vmem>> -> memref<96x32xf32, #tpu.memory_space<vmem>>
      %dma_start3A_109 = arith.constant 0 : i32
      %dma_start3A_110 = tpu.memref_slice %arg6[%add3A_93, %dma_start3A_109] : memref<128x200xi32, #tpu.memory_space<vmem>> -> memref<1x96xi32, #tpu.memory_space<vmem>>
      %dma_start3A_111 = tpu.memref_squeeze %dma_start3A_110 : memref<1x96xi32, #tpu.memory_space<vmem>> -> memref<96xi32, #tpu.memory_space<vmem>>
      %dma_start3A_112 = arith.constant 0 : i32
      %dma_start3A_113 = arith.constant 0 : i32
      %dma_start3A_114 = tpu.memref_slice %arg3[%dma_start3A_112, %dma_start3A_113] : memref<1000000x32xf32, #tpu.memory_space<hbm>> -> memref<1000000x32xf32, #tpu.memory_space<hbm>>
      tpu.enqueue_indirect_dma source(%dma_start3A_114 : memref<1000000x32xf32, #tpu.memory_space<hbm>>) target(%dma_start3A_108 : memref<96x32xf32, #tpu.memory_space<vmem>>) offsets(%dma_start3A_111 : memref<96xi32, #tpu.memory_space<vmem>>) semaphore(%arg17 : memref<!tpu.dma_semaphore, #tpu.memory_space<semaphore_mem>>)
      %dma_start3A_115 = arith.constant 0 : i32
      %dma_start3A_116 = arith.constant 96 : i32
      %dma_start3A_117 = arith.constant 0 : i32
      %dma_start3A_118 = tpu.memref_slice %arg7[%dma_start3A_115, %dma_start3A_116, %dma_start3A_117] : memref<2x400x32xf32, #tpu.memory_space<vmem>> -> memref<1x104x32xf32, #tpu.memory_space<vmem>>
      %dma_start3A_119 = tpu.memref_squeeze %dma_start3A_118 : memref<1x104x32xf32, #tpu.memory_space<vmem>> -> memref<104x32xf32, #tpu.memory_space<vmem>>
      %dma_start3A_120 = arith.constant 96 : i32
      %dma_start3A_121 = tpu.memref_slice %arg6[%add3A_93, %dma_start3A_120] : memref<128x200xi32, #tpu.memory_space<vmem>> -> memref<1x104xi32, #tpu.memory_space<vmem>>
      %dma_start3A_122 = tpu.memref_squeeze %dma_start3A_121 : memref<1x104xi32, #tpu.memory_space<vmem>> -> memref<104xi32, #tpu.memory_space<vmem>>
      %dma_start3A_123 = arith.constant 0 : i32
      %dma_start3A_124 = arith.constant 0 : i32
      %dma_start3A_125 = tpu.memref_slice %arg2[%dma_start3A_123, %dma_start3A_124] : memref<1000000x32xf32, #tpu.memory_space<hbm>> -> memref<1000000x32xf32, #tpu.memory_space<hbm>>
      tpu.enqueue_indirect_dma source(%dma_start3A_125 : memref<1000000x32xf32, #tpu.memory_space<hbm>>) target(%dma_start3A_119 : memref<104x32xf32, #tpu.memory_space<vmem>>) offsets(%dma_start3A_122 : memref<104xi32, #tpu.memory_space<vmem>>) semaphore(%arg10 : memref<!tpu.dma_semaphore, #tpu.memory_space<semaphore_mem>>)
      %dma_start3A_126 = arith.constant 0 : i32
      %dma_start3A_127 = arith.constant 96 : i32
      %dma_start3A_128 = arith.constant 0 : i32
      %dma_start3A_129 = tpu.memref_slice %arg8[%dma_start3A_126, %dma_start3A_127, %dma_start3A_128] : memref<2x400x32xf32, #tpu.memory_space<vmem>> -> memref<1x104x32xf32, #tpu.memory_space<vmem>>
      %dma_start3A_130 = tpu.memref_squeeze %dma_start3A_129 : memref<1x104x32xf32, #tpu.memory_space<vmem>> -> memref<104x32xf32, #tpu.memory_space<vmem>>
      %dma_start3A_131 = arith.constant 96 : i32
      %dma_start3A_132 = tpu.memref_slice %arg6[%add3A_93, %dma_start3A_131] : memref<128x200xi32, #tpu.memory_space<vmem>> -> memref<1x104xi32, #tpu.memory_space<vmem>>
      %dma_start3A_133 = tpu.memref_squeeze %dma_start3A_132 : memref<1x104xi32, #tpu.memory_space<vmem>> -> memref<104xi32, #tpu.memory_space<vmem>>
      %dma_start3A_134 = arith.constant 0 : i32
      %dma_start3A_135 = arith.constant 0 : i32
      %dma_start3A_136 = tpu.memref_slice %arg3[%dma_start3A_134, %dma_start3A_135] : memref<1000000x32xf32, #tpu.memory_space<hbm>> -> memref<1000000x32xf32, #tpu.memory_space<hbm>>
      tpu.enqueue_indirect_dma source(%dma_start3A_136 : memref<1000000x32xf32, #tpu.memory_space<hbm>>) target(%dma_start3A_130 : memref<104x32xf32, #tpu.memory_space<vmem>>) offsets(%dma_start3A_133 : memref<104xi32, #tpu.memory_space<vmem>>) semaphore(%arg18 : memref<!tpu.dma_semaphore, #tpu.memory_space<semaphore_mem>>)
      %add3A_137 = arith.constant 0 : i32
      %add3A_138 = arith.addi %mul3A_87, %add3A_137 : i32
      %add3A_139 = arith.constant 1 : i32
      %add3A_140 = arith.addi %add3A_138, %add3A_139 : i32
      %dma_start3A_141 = arith.constant 0 : i32
      %dma_start3A_142 = arith.constant 200 : i32
      %dma_start3A_143 = arith.constant 0 : i32
      %dma_start3A_144 = tpu.memref_slice %arg7[%dma_start3A_141, %dma_start3A_142, %dma_start3A_143] : memref<2x400x32xf32, #tpu.memory_space<vmem>> -> memref<1x96x32xf32, #tpu.memory_space<vmem>>
      %dma_start3A_145 = tpu.memref_squeeze %dma_start3A_144 : memref<1x96x32xf32, #tpu.memory_space<vmem>> -> memref<96x32xf32, #tpu.memory_space<vmem>>
      %dma_start3A_146 = arith.constant 0 : i32
      %dma_start3A_147 = tpu.memref_slice %arg6[%add3A_140, %dma_start3A_146] : memref<128x200xi32, #tpu.memory_space<vmem>> -> memref<1x96xi32, #tpu.memory_space<vmem>>
      %dma_start3A_148 = tpu.memref_squeeze %dma_start3A_147 : memref<1x96xi32, #tpu.memory_space<vmem>> -> memref<96xi32, #tpu.memory_space<vmem>>
      %dma_start3A_149 = arith.constant 0 : i32
      %dma_start3A_150 = arith.constant 0 : i32
      %dma_start3A_151 = tpu.memref_slice %arg2[%dma_start3A_149, %dma_start3A_150] : memref<1000000x32xf32, #tpu.memory_space<hbm>> -> memref<1000000x32xf32, #tpu.memory_space<hbm>>
      tpu.enqueue_indirect_dma source(%dma_start3A_151 : memref<1000000x32xf32, #tpu.memory_space<hbm>>) target(%dma_start3A_145 : memref<96x32xf32, #tpu.memory_space<vmem>>) offsets(%dma_start3A_148 : memref<96xi32, #tpu.memory_space<vmem>>) semaphore(%arg11 : memref<!tpu.dma_semaphore, #tpu.memory_space<semaphore_mem>>)
      %dma_start3A_152 = arith.constant 0 : i32
      %dma_start3A_153 = arith.constant 200 : i32
      %dma_start3A_154 = arith.constant 0 : i32
      %dma_start3A_155 = tpu.memref_slice %arg8[%dma_start3A_152, %dma_start3A_153, %dma_start3A_154] : memref<2x400x32xf32, #tpu.memory_space<vmem>> -> memref<1x96x32xf32, #tpu.memory_space<vmem>>
      %dma_start3A_156 = tpu.memref_squeeze %dma_start3A_155 : memref<1x96x32xf32, #tpu.memory_space<vmem>> -> memref<96x32xf32, #tpu.memory_space<vmem>>
      %dma_start3A_157 = arith.constant 0 : i32
      %dma_start3A_158 = tpu.memref_slice %arg6[%add3A_140, %dma_start3A_157] : memref<128x200xi32, #tpu.memory_space<vmem>> -> memref<1x96xi32, #tpu.memory_space<vmem>>
      %dma_start3A_159 = tpu.memref_squeeze %dma_start3A_158 : memref<1x96xi32, #tpu.memory_space<vmem>> -> memref<96xi32, #tpu.memory_space<vmem>>
      %dma_start3A_160 = arith.constant 0 : i32
      %dma_start3A_161 = arith.constant 0 : i32
      %dma_start3A_162 = tpu.memref_slice %arg3[%dma_start3A_160, %dma_start3A_161] : memref<1000000x32xf32, #tpu.memory_space<hbm>> -> memref<1000000x32xf32, #tpu.memory_space<hbm>>
      tpu.enqueue_indirect_dma source(%dma_start3A_162 : memref<1000000x32xf32, #tpu.memory_space<hbm>>) target(%dma_start3A_156 : memref<96x32xf32, #tpu.memory_space<vmem>>) offsets(%dma_start3A_159 : memref<96xi32, #tpu.memory_space<vmem>>) semaphore(%arg19 : memref<!tpu.dma_semaphore, #tpu.memory_space<semaphore_mem>>)
      %dma_start3A_163 = arith.constant 0 : i32
      %dma_start3A_164 = arith.constant 296 : i32
      %dma_start3A_165 = arith.constant 0 : i32
      %dma_start3A_166 = tpu.memref_slice %arg7[%dma_start3A_163, %dma_start3A_164, %dma_start3A_165] : memref<2x400x32xf32, #tpu.memory_space<vmem>> -> memref<1x104x32xf32, #tpu.memory_space<vmem>>
      %dma_start3A_167 = tpu.memref_squeeze %dma_start3A_166 : memref<1x104x32xf32, #tpu.memory_space<vmem>> -> memref<104x32xf32, #tpu.memory_space<vmem>>
      %dma_start3A_168 = arith.constant 96 : i32
      %dma_start3A_169 = tpu.memref_slice %arg6[%add3A_140, %dma_start3A_168] : memref<128x200xi32, #tpu.memory_space<vmem>> -> memref<1x104xi32, #tpu.memory_space<vmem>>
      %dma_start3A_170 = tpu.memref_squeeze %dma_start3A_169 : memref<1x104xi32, #tpu.memory_space<vmem>> -> memref<104xi32, #tpu.memory_space<vmem>>
      %dma_start3A_171 = arith.constant 0 : i32
      %dma_start3A_172 = arith.constant 0 : i32
      %dma_start3A_173 = tpu.memref_slice %arg2[%dma_start3A_171, %dma_start3A_172] : memref<1000000x32xf32, #tpu.memory_space<hbm>> -> memref<1000000x32xf32, #tpu.memory_space<hbm>>
      tpu.enqueue_indirect_dma source(%dma_start3A_173 : memref<1000000x32xf32, #tpu.memory_space<hbm>>) target(%dma_start3A_167 : memref<104x32xf32, #tpu.memory_space<vmem>>) offsets(%dma_start3A_170 : memref<104xi32, #tpu.memory_space<vmem>>) semaphore(%arg12 : memref<!tpu.dma_semaphore, #tpu.memory_space<semaphore_mem>>)
      %dma_start3A_174 = arith.constant 0 : i32
      %dma_start3A_175 = arith.constant 296 : i32
      %dma_start3A_176 = arith.constant 0 : i32
      %dma_start3A_177 = tpu.memref_slice %arg8[%dma_start3A_174, %dma_start3A_175, %dma_start3A_176] : memref<2x400x32xf32, #tpu.memory_space<vmem>> -> memref<1x104x32xf32, #tpu.memory_space<vmem>>
      %dma_start3A_178 = tpu.memref_squeeze %dma_start3A_177 : memref<1x104x32xf32, #tpu.memory_space<vmem>> -> memref<104x32xf32, #tpu.memory_space<vmem>>
      %dma_start3A_179 = arith.constant 96 : i32
      %dma_start3A_180 = tpu.memref_slice %arg6[%add3A_140, %dma_start3A_179] : memref<128x200xi32, #tpu.memory_space<vmem>> -> memref<1x104xi32, #tpu.memory_space<vmem>>
      %dma_start3A_181 = tpu.memref_squeeze %dma_start3A_180 : memref<1x104xi32, #tpu.memory_space<vmem>> -> memref<104xi32, #tpu.memory_space<vmem>>
      %dma_start3A_182 = arith.constant 0 : i32
      %dma_start3A_183 = arith.constant 0 : i32
      %dma_start3A_184 = tpu.memref_slice %arg3[%dma_start3A_182, %dma_start3A_183] : memref<1000000x32xf32, #tpu.memory_space<hbm>> -> memref<1000000x32xf32, #tpu.memory_space<hbm>>
      tpu.enqueue_indirect_dma source(%dma_start3A_184 : memref<1000000x32xf32, #tpu.memory_space<hbm>>) target(%dma_start3A_178 : memref<104x32xf32, #tpu.memory_space<vmem>>) offsets(%dma_start3A_181 : memref<104xi32, #tpu.memory_space<vmem>>) semaphore(%arg20 : memref<!tpu.dma_semaphore, #tpu.memory_space<semaphore_mem>>)
      %gt3A_185 = arith.constant 0 : i32
      %gt3A_186 = arith.cmpi sgt, %scan3A_83, %gt3A_185 : i32
      %convert_element_type3A_187 = arith.extui %gt3A_186 : i1 to i32
      %cond3A_188 = arith.constant 0 : i32
      %cond3A_189 = arith.cmpi ne, %convert_element_type3A_187, %cond3A_188 : i32
      scf.if %cond3A_189 {
        %add3A_550 = arith.addi %mul3A_2, %mul3A_87 : i32
        %add3A_551 = arith.constant 2 : i32
        %add3A_552 = arith.addi %add3A_550, %add3A_551 : i32
        %sub3A = arith.constant 4 : i32
        %sub3A_553 = arith.subi %add3A_552, %sub3A : i32
        %mul3A_554 = arith.constant 200 : i32
        %mul3A_555 = arith.muli %sub3A_553, %mul3A_554 : i32
        %dma_wait3A_556 = arith.constant 1 : i32
        %dma_wait3A_557 = arith.constant 0 : i32
        %dma_wait3A_558 = arith.constant 0 : i32
        %dma_wait3A_559 = tpu.memref_slice %arg7[%dma_wait3A_556, %dma_wait3A_557, %dma_wait3A_558] : memref<2x400x32xf32, #tpu.memory_space<vmem>> -> memref<1x400x32xf32, #tpu.memory_space<vmem>>
        %dma_wait3A_560 = tpu.memref_squeeze %dma_wait3A_559 : memref<1x400x32xf32, #tpu.memory_space<vmem>> -> memref<400x32xf32, #tpu.memory_space<vmem>>
        %dma_wait3A_561 = arith.constant 0 : i32
        %dma_wait3A_562 = tpu.memref_slice %arg5[%mul3A_555, %dma_wait3A_561] : memref<819200x128xf32, #tpu.memory_space<hbm>> -> memref<400x32xf32, #tpu.memory_space<hbm>>
        %dma_wait3A_563 = arith.constant 0 : i32
        %dma_wait3A_564 = tpu.memref_slice %arg5[%mul3A_555, %dma_wait3A_563] : memref<819200x128xf32, #tpu.memory_space<hbm>> -> memref<400x32xf32, #tpu.memory_space<hbm>>
        %dma_wait3A_565 = arith.constant 0 : i32
        %dma_wait3A_566 = arith.constant 0 : i32
        %dma_wait3A_567 = tpu.memref_slice %arg7[%dma_wait3A_556, %dma_wait3A_565, %dma_wait3A_566] : memref<2x400x32xf32, #tpu.memory_space<vmem>> -> memref<1x400x32xf32, #tpu.memory_space<vmem>>
        %dma_wait3A_568 = tpu.memref_squeeze %dma_wait3A_567 : memref<1x400x32xf32, #tpu.memory_space<vmem>> -> memref<400x32xf32, #tpu.memory_space<vmem>>
        tpu.wait_dma2 semaphore(%arg26 : memref<!tpu.dma_semaphore, #tpu.memory_space<semaphore_mem>>) src(%dma_wait3A_568 : memref<400x32xf32, #tpu.memory_space<vmem>>) dst(%dma_wait3A_564 : memref<400x32xf32, #tpu.memory_space<hbm>>)
        %add3A_569 = arith.addi %mul3A_2, %mul3A_87 : i32
        %add3A_570 = arith.constant 2 : i32
        %add3A_571 = arith.addi %add3A_569, %add3A_570 : i32
        %sub3A_572 = arith.constant 4 : i32
        %sub3A_573 = arith.subi %add3A_571, %sub3A_572 : i32
        %mul3A_574 = arith.constant 200 : i32
        %mul3A_575 = arith.muli %sub3A_573, %mul3A_574 : i32
        %dma_wait3A_576 = arith.constant 1 : i32
        %dma_wait3A_577 = arith.constant 0 : i32
        %dma_wait3A_578 = arith.constant 0 : i32
        %dma_wait3A_579 = tpu.memref_slice %arg8[%dma_wait3A_576, %dma_wait3A_577, %dma_wait3A_578] : memref<2x400x32xf32, #tpu.memory_space<vmem>> -> memref<1x400x32xf32, #tpu.memory_space<vmem>>
        %dma_wait3A_580 = tpu.memref_squeeze %dma_wait3A_579 : memref<1x400x32xf32, #tpu.memory_space<vmem>> -> memref<400x32xf32, #tpu.memory_space<vmem>>
        %dma_wait3A_581 = arith.constant 32 : i32
        %dma_wait3A_582 = tpu.memref_slice %arg5[%mul3A_575, %dma_wait3A_581] : memref<819200x128xf32, #tpu.memory_space<hbm>> -> memref<400x32xf32, #tpu.memory_space<hbm>>
        %dma_wait3A_583 = arith.constant 32 : i32
        %dma_wait3A_584 = tpu.memref_slice %arg5[%mul3A_575, %dma_wait3A_583] : memref<819200x128xf32, #tpu.memory_space<hbm>> -> memref<400x32xf32, #tpu.memory_space<hbm>>
        %dma_wait3A_585 = arith.constant 0 : i32
        %dma_wait3A_586 = arith.constant 0 : i32
        %dma_wait3A_587 = tpu.memref_slice %arg8[%dma_wait3A_576, %dma_wait3A_585, %dma_wait3A_586] : memref<2x400x32xf32, #tpu.memory_space<vmem>> -> memref<1x400x32xf32, #tpu.memory_space<vmem>>
        %dma_wait3A_588 = tpu.memref_squeeze %dma_wait3A_587 : memref<1x400x32xf32, #tpu.memory_space<vmem>> -> memref<400x32xf32, #tpu.memory_space<vmem>>
        tpu.wait_dma2 semaphore(%arg28 : memref<!tpu.dma_semaphore, #tpu.memory_space<semaphore_mem>>) src(%dma_wait3A_588 : memref<400x32xf32, #tpu.memory_space<vmem>>) dst(%dma_wait3A_584 : memref<400x32xf32, #tpu.memory_space<hbm>>)
      } else {
      }
      %add3A_190 = arith.constant 2 : i32
      %add3A_191 = arith.addi %mul3A_87, %add3A_190 : i32
      %add3A_192 = arith.constant 0 : i32
      %add3A_193 = arith.addi %add3A_191, %add3A_192 : i32
      %dma_start3A_194 = arith.constant 1 : i32
      %dma_start3A_195 = arith.constant 0 : i32
      %dma_start3A_196 = arith.constant 0 : i32
      %dma_start3A_197 = tpu.memref_slice %arg7[%dma_start3A_194, %dma_start3A_195, %dma_start3A_196] : memref<2x400x32xf32, #tpu.memory_space<vmem>> -> memref<1x96x32xf32, #tpu.memory_space<vmem>>
      %dma_start3A_198 = tpu.memref_squeeze %dma_start3A_197 : memref<1x96x32xf32, #tpu.memory_space<vmem>> -> memref<96x32xf32, #tpu.memory_space<vmem>>
      %dma_start3A_199 = arith.constant 0 : i32
      %dma_start3A_200 = tpu.memref_slice %arg6[%add3A_193, %dma_start3A_199] : memref<128x200xi32, #tpu.memory_space<vmem>> -> memref<1x96xi32, #tpu.memory_space<vmem>>
      %dma_start3A_201 = tpu.memref_squeeze %dma_start3A_200 : memref<1x96xi32, #tpu.memory_space<vmem>> -> memref<96xi32, #tpu.memory_space<vmem>>
      %dma_start3A_202 = arith.constant 0 : i32
      %dma_start3A_203 = arith.constant 0 : i32
      %dma_start3A_204 = tpu.memref_slice %arg2[%dma_start3A_202, %dma_start3A_203] : memref<1000000x32xf32, #tpu.memory_space<hbm>> -> memref<1000000x32xf32, #tpu.memory_space<hbm>>
      tpu.enqueue_indirect_dma source(%dma_start3A_204 : memref<1000000x32xf32, #tpu.memory_space<hbm>>) target(%dma_start3A_198 : memref<96x32xf32, #tpu.memory_space<vmem>>) offsets(%dma_start3A_201 : memref<96xi32, #tpu.memory_space<vmem>>) semaphore(%arg13 : memref<!tpu.dma_semaphore, #tpu.memory_space<semaphore_mem>>)
      %dma_start3A_205 = arith.constant 1 : i32
      %dma_start3A_206 = arith.constant 0 : i32
      %dma_start3A_207 = arith.constant 0 : i32
      %dma_start3A_208 = tpu.memref_slice %arg8[%dma_start3A_205, %dma_start3A_206, %dma_start3A_207] : memref<2x400x32xf32, #tpu.memory_space<vmem>> -> memref<1x96x32xf32, #tpu.memory_space<vmem>>
      %dma_start3A_209 = tpu.memref_squeeze %dma_start3A_208 : memref<1x96x32xf32, #tpu.memory_space<vmem>> -> memref<96x32xf32, #tpu.memory_space<vmem>>
      %dma_start3A_210 = arith.constant 0 : i32
      %dma_start3A_211 = tpu.memref_slice %arg6[%add3A_193, %dma_start3A_210] : memref<128x200xi32, #tpu.memory_space<vmem>> -> memref<1x96xi32, #tpu.memory_space<vmem>>
      %dma_start3A_212 = tpu.memref_squeeze %dma_start3A_211 : memref<1x96xi32, #tpu.memory_space<vmem>> -> memref<96xi32, #tpu.memory_space<vmem>>
      %dma_start3A_213 = arith.constant 0 : i32
      %dma_start3A_214 = arith.constant 0 : i32
      %dma_start3A_215 = tpu.memref_slice %arg3[%dma_start3A_213, %dma_start3A_214] : memref<1000000x32xf32, #tpu.memory_space<hbm>> -> memref<1000000x32xf32, #tpu.memory_space<hbm>>
      tpu.enqueue_indirect_dma source(%dma_start3A_215 : memref<1000000x32xf32, #tpu.memory_space<hbm>>) target(%dma_start3A_209 : memref<96x32xf32, #tpu.memory_space<vmem>>) offsets(%dma_start3A_212 : memref<96xi32, #tpu.memory_space<vmem>>) semaphore(%arg21 : memref<!tpu.dma_semaphore, #tpu.memory_space<semaphore_mem>>)
      %dma_start3A_216 = arith.constant 1 : i32
      %dma_start3A_217 = arith.constant 96 : i32
      %dma_start3A_218 = arith.constant 0 : i32
      %dma_start3A_219 = tpu.memref_slice %arg7[%dma_start3A_216, %dma_start3A_217, %dma_start3A_218] : memref<2x400x32xf32, #tpu.memory_space<vmem>> -> memref<1x104x32xf32, #tpu.memory_space<vmem>>
      %dma_start3A_220 = tpu.memref_squeeze %dma_start3A_219 : memref<1x104x32xf32, #tpu.memory_space<vmem>> -> memref<104x32xf32, #tpu.memory_space<vmem>>
      %dma_start3A_221 = arith.constant 96 : i32
      %dma_start3A_222 = tpu.memref_slice %arg6[%add3A_193, %dma_start3A_221] : memref<128x200xi32, #tpu.memory_space<vmem>> -> memref<1x104xi32, #tpu.memory_space<vmem>>
      %dma_start3A_223 = tpu.memref_squeeze %dma_start3A_222 : memref<1x104xi32, #tpu.memory_space<vmem>> -> memref<104xi32, #tpu.memory_space<vmem>>
      %dma_start3A_224 = arith.constant 0 : i32
      %dma_start3A_225 = arith.constant 0 : i32
      %dma_start3A_226 = tpu.memref_slice %arg2[%dma_start3A_224, %dma_start3A_225] : memref<1000000x32xf32, #tpu.memory_space<hbm>> -> memref<1000000x32xf32, #tpu.memory_space<hbm>>
      tpu.enqueue_indirect_dma source(%dma_start3A_226 : memref<1000000x32xf32, #tpu.memory_space<hbm>>) target(%dma_start3A_220 : memref<104x32xf32, #tpu.memory_space<vmem>>) offsets(%dma_start3A_223 : memref<104xi32, #tpu.memory_space<vmem>>) semaphore(%arg14 : memref<!tpu.dma_semaphore, #tpu.memory_space<semaphore_mem>>)
      %dma_start3A_227 = arith.constant 1 : i32
      %dma_start3A_228 = arith.constant 96 : i32
      %dma_start3A_229 = arith.constant 0 : i32
      %dma_start3A_230 = tpu.memref_slice %arg8[%dma_start3A_227, %dma_start3A_228, %dma_start3A_229] : memref<2x400x32xf32, #tpu.memory_space<vmem>> -> memref<1x104x32xf32, #tpu.memory_space<vmem>>
      %dma_start3A_231 = tpu.memref_squeeze %dma_start3A_230 : memref<1x104x32xf32, #tpu.memory_space<vmem>> -> memref<104x32xf32, #tpu.memory_space<vmem>>
      %dma_start3A_232 = arith.constant 96 : i32
      %dma_start3A_233 = tpu.memref_slice %arg6[%add3A_193, %dma_start3A_232] : memref<128x200xi32, #tpu.memory_space<vmem>> -> memref<1x104xi32, #tpu.memory_space<vmem>>
      %dma_start3A_234 = tpu.memref_squeeze %dma_start3A_233 : memref<1x104xi32, #tpu.memory_space<vmem>> -> memref<104xi32, #tpu.memory_space<vmem>>
      %dma_start3A_235 = arith.constant 0 : i32
      %dma_start3A_236 = arith.constant 0 : i32
      %dma_start3A_237 = tpu.memref_slice %arg3[%dma_start3A_235, %dma_start3A_236] : memref<1000000x32xf32, #tpu.memory_space<hbm>> -> memref<1000000x32xf32, #tpu.memory_space<hbm>>
      tpu.enqueue_indirect_dma source(%dma_start3A_237 : memref<1000000x32xf32, #tpu.memory_space<hbm>>) target(%dma_start3A_231 : memref<104x32xf32, #tpu.memory_space<vmem>>) offsets(%dma_start3A_234 : memref<104xi32, #tpu.memory_space<vmem>>) semaphore(%arg22 : memref<!tpu.dma_semaphore, #tpu.memory_space<semaphore_mem>>)
      %add3A_238 = arith.constant 2 : i32
      %add3A_239 = arith.addi %mul3A_87, %add3A_238 : i32
      %add3A_240 = arith.constant 1 : i32
      %add3A_241 = arith.addi %add3A_239, %add3A_240 : i32
      %dma_start3A_242 = arith.constant 1 : i32
      %dma_start3A_243 = arith.constant 200 : i32
      %dma_start3A_244 = arith.constant 0 : i32
      %dma_start3A_245 = tpu.memref_slice %arg7[%dma_start3A_242, %dma_start3A_243, %dma_start3A_244] : memref<2x400x32xf32, #tpu.memory_space<vmem>> -> memref<1x96x32xf32, #tpu.memory_space<vmem>>
      %dma_start3A_246 = tpu.memref_squeeze %dma_start3A_245 : memref<1x96x32xf32, #tpu.memory_space<vmem>> -> memref<96x32xf32, #tpu.memory_space<vmem>>
      %dma_start3A_247 = arith.constant 0 : i32
      %dma_start3A_248 = tpu.memref_slice %arg6[%add3A_241, %dma_start3A_247] : memref<128x200xi32, #tpu.memory_space<vmem>> -> memref<1x96xi32, #tpu.memory_space<vmem>>
      %dma_start3A_249 = tpu.memref_squeeze %dma_start3A_248 : memref<1x96xi32, #tpu.memory_space<vmem>> -> memref<96xi32, #tpu.memory_space<vmem>>
      %dma_start3A_250 = arith.constant 0 : i32
      %dma_start3A_251 = arith.constant 0 : i32
      %dma_start3A_252 = tpu.memref_slice %arg2[%dma_start3A_250, %dma_start3A_251] : memref<1000000x32xf32, #tpu.memory_space<hbm>> -> memref<1000000x32xf32, #tpu.memory_space<hbm>>
      tpu.enqueue_indirect_dma source(%dma_start3A_252 : memref<1000000x32xf32, #tpu.memory_space<hbm>>) target(%dma_start3A_246 : memref<96x32xf32, #tpu.memory_space<vmem>>) offsets(%dma_start3A_249 : memref<96xi32, #tpu.memory_space<vmem>>) semaphore(%arg15 : memref<!tpu.dma_semaphore, #tpu.memory_space<semaphore_mem>>)
      %dma_start3A_253 = arith.constant 1 : i32
      %dma_start3A_254 = arith.constant 200 : i32
      %dma_start3A_255 = arith.constant 0 : i32
      %dma_start3A_256 = tpu.memref_slice %arg8[%dma_start3A_253, %dma_start3A_254, %dma_start3A_255] : memref<2x400x32xf32, #tpu.memory_space<vmem>> -> memref<1x96x32xf32, #tpu.memory_space<vmem>>
      %dma_start3A_257 = tpu.memref_squeeze %dma_start3A_256 : memref<1x96x32xf32, #tpu.memory_space<vmem>> -> memref<96x32xf32, #tpu.memory_space<vmem>>
      %dma_start3A_258 = arith.constant 0 : i32
      %dma_start3A_259 = tpu.memref_slice %arg6[%add3A_241, %dma_start3A_258] : memref<128x200xi32, #tpu.memory_space<vmem>> -> memref<1x96xi32, #tpu.memory_space<vmem>>
      %dma_start3A_260 = tpu.memref_squeeze %dma_start3A_259 : memref<1x96xi32, #tpu.memory_space<vmem>> -> memref<96xi32, #tpu.memory_space<vmem>>
      %dma_start3A_261 = arith.constant 0 : i32
      %dma_start3A_262 = arith.constant 0 : i32
      %dma_start3A_263 = tpu.memref_slice %arg3[%dma_start3A_261, %dma_start3A_262] : memref<1000000x32xf32, #tpu.memory_space<hbm>> -> memref<1000000x32xf32, #tpu.memory_space<hbm>>
      tpu.enqueue_indirect_dma source(%dma_start3A_263 : memref<1000000x32xf32, #tpu.memory_space<hbm>>) target(%dma_start3A_257 : memref<96x32xf32, #tpu.memory_space<vmem>>) offsets(%dma_start3A_260 : memref<96xi32, #tpu.memory_space<vmem>>) semaphore(%arg23 : memref<!tpu.dma_semaphore, #tpu.memory_space<semaphore_mem>>)
      %dma_start3A_264 = arith.constant 1 : i32
      %dma_start3A_265 = arith.constant 296 : i32
      %dma_start3A_266 = arith.constant 0 : i32
      %dma_start3A_267 = tpu.memref_slice %arg7[%dma_start3A_264, %dma_start3A_265, %dma_start3A_266] : memref<2x400x32xf32, #tpu.memory_space<vmem>> -> memref<1x104x32xf32, #tpu.memory_space<vmem>>
      %dma_start3A_268 = tpu.memref_squeeze %dma_start3A_267 : memref<1x104x32xf32, #tpu.memory_space<vmem>> -> memref<104x32xf32, #tpu.memory_space<vmem>>
      %dma_start3A_269 = arith.constant 96 : i32
      %dma_start3A_270 = tpu.memref_slice %arg6[%add3A_241, %dma_start3A_269] : memref<128x200xi32, #tpu.memory_space<vmem>> -> memref<1x104xi32, #tpu.memory_space<vmem>>
      %dma_start3A_271 = tpu.memref_squeeze %dma_start3A_270 : memref<1x104xi32, #tpu.memory_space<vmem>> -> memref<104xi32, #tpu.memory_space<vmem>>
      %dma_start3A_272 = arith.constant 0 : i32
      %dma_start3A_273 = arith.constant 0 : i32
      %dma_start3A_274 = tpu.memref_slice %arg2[%dma_start3A_272, %dma_start3A_273] : memref<1000000x32xf32, #tpu.memory_space<hbm>> -> memref<1000000x32xf32, #tpu.memory_space<hbm>>
      tpu.enqueue_indirect_dma source(%dma_start3A_274 : memref<1000000x32xf32, #tpu.memory_space<hbm>>) target(%dma_start3A_268 : memref<104x32xf32, #tpu.memory_space<vmem>>) offsets(%dma_start3A_271 : memref<104xi32, #tpu.memory_space<vmem>>) semaphore(%arg16 : memref<!tpu.dma_semaphore, #tpu.memory_space<semaphore_mem>>)
      %dma_start3A_275 = arith.constant 1 : i32
      %dma_start3A_276 = arith.constant 296 : i32
      %dma_start3A_277 = arith.constant 0 : i32
      %dma_start3A_278 = tpu.memref_slice %arg8[%dma_start3A_275, %dma_start3A_276, %dma_start3A_277] : memref<2x400x32xf32, #tpu.memory_space<vmem>> -> memref<1x104x32xf32, #tpu.memory_space<vmem>>
      %dma_start3A_279 = tpu.memref_squeeze %dma_start3A_278 : memref<1x104x32xf32, #tpu.memory_space<vmem>> -> memref<104x32xf32, #tpu.memory_space<vmem>>
      %dma_start3A_280 = arith.constant 96 : i32
      %dma_start3A_281 = tpu.memref_slice %arg6[%add3A_241, %dma_start3A_280] : memref<128x200xi32, #tpu.memory_space<vmem>> -> memref<1x104xi32, #tpu.memory_space<vmem>>
      %dma_start3A_282 = tpu.memref_squeeze %dma_start3A_281 : memref<1x104xi32, #tpu.memory_space<vmem>> -> memref<104xi32, #tpu.memory_space<vmem>>
      %dma_start3A_283 = arith.constant 0 : i32
      %dma_start3A_284 = arith.constant 0 : i32
      %dma_start3A_285 = tpu.memref_slice %arg3[%dma_start3A_283, %dma_start3A_284] : memref<1000000x32xf32, #tpu.memory_space<hbm>> -> memref<1000000x32xf32, #tpu.memory_space<hbm>>
      tpu.enqueue_indirect_dma source(%dma_start3A_285 : memref<1000000x32xf32, #tpu.memory_space<hbm>>) target(%dma_start3A_279 : memref<104x32xf32, #tpu.memory_space<vmem>>) offsets(%dma_start3A_282 : memref<104xi32, #tpu.memory_space<vmem>>) semaphore(%arg24 : memref<!tpu.dma_semaphore, #tpu.memory_space<semaphore_mem>>)
      %add3A_286 = arith.constant 0 : i32
      %add3A_287 = arith.addi %mul3A_87, %add3A_286 : i32
      %add3A_288 = arith.constant 0 : i32
      %add3A_289 = arith.addi %add3A_287, %add3A_288 : i32
      %dma_wait3A_290 = arith.constant 0 : i32
      %dma_wait3A_291 = arith.constant 0 : i32
      %dma_wait3A_292 = arith.constant 0 : i32
      %dma_wait3A_293 = tpu.memref_slice %arg7[%dma_wait3A_290, %dma_wait3A_291, %dma_wait3A_292] : memref<2x400x32xf32, #tpu.memory_space<vmem>> -> memref<1x96x32xf32, #tpu.memory_space<vmem>>
      %dma_wait3A_294 = tpu.memref_squeeze %dma_wait3A_293 : memref<1x96x32xf32, #tpu.memory_space<vmem>> -> memref<96x32xf32, #tpu.memory_space<vmem>>
      %dma_wait3A_295 = arith.constant 0 : i32
      %dma_wait3A_296 = tpu.memref_slice %arg6[%add3A_289, %dma_wait3A_295] : memref<128x200xi32, #tpu.memory_space<vmem>> -> memref<1x96xi32, #tpu.memory_space<vmem>>
      %dma_wait3A_297 = tpu.memref_squeeze %dma_wait3A_296 : memref<1x96xi32, #tpu.memory_space<vmem>> -> memref<96xi32, #tpu.memory_space<vmem>>
      %dma_wait3A_298 = arith.constant 0 : i32
      %dma_wait3A_299 = arith.constant 0 : i32
      %dma_wait3A_300 = tpu.memref_slice %arg2[%dma_wait3A_298, %dma_wait3A_299] : memref<1000000x32xf32, #tpu.memory_space<hbm>> -> memref<1000000x32xf32, #tpu.memory_space<hbm>>
      tpu.wait_indirect_dma semaphore(%arg9 : memref<!tpu.dma_semaphore, #tpu.memory_space<semaphore_mem>>) src(%dma_wait3A_300 : memref<1000000x32xf32, #tpu.memory_space<hbm>>) dst(%dma_wait3A_294 : memref<96x32xf32, #tpu.memory_space<vmem>>)
      %dma_wait3A_301 = arith.constant 0 : i32
      %dma_wait3A_302 = arith.constant 0 : i32
      %dma_wait3A_303 = arith.constant 0 : i32
      %dma_wait3A_304 = tpu.memref_slice %arg8[%dma_wait3A_301, %dma_wait3A_302, %dma_wait3A_303] : memref<2x400x32xf32, #tpu.memory_space<vmem>> -> memref<1x96x32xf32, #tpu.memory_space<vmem>>
      %dma_wait3A_305 = tpu.memref_squeeze %dma_wait3A_304 : memref<1x96x32xf32, #tpu.memory_space<vmem>> -> memref<96x32xf32, #tpu.memory_space<vmem>>
      %dma_wait3A_306 = arith.constant 0 : i32
      %dma_wait3A_307 = tpu.memref_slice %arg6[%add3A_289, %dma_wait3A_306] : memref<128x200xi32, #tpu.memory_space<vmem>> -> memref<1x96xi32, #tpu.memory_space<vmem>>
      %dma_wait3A_308 = tpu.memref_squeeze %dma_wait3A_307 : memref<1x96xi32, #tpu.memory_space<vmem>> -> memref<96xi32, #tpu.memory_space<vmem>>
      %dma_wait3A_309 = arith.constant 0 : i32
      %dma_wait3A_310 = arith.constant 0 : i32
      %dma_wait3A_311 = tpu.memref_slice %arg3[%dma_wait3A_309, %dma_wait3A_310] : memref<1000000x32xf32, #tpu.memory_space<hbm>> -> memref<1000000x32xf32, #tpu.memory_space<hbm>>
      tpu.wait_indirect_dma semaphore(%arg17 : memref<!tpu.dma_semaphore, #tpu.memory_space<semaphore_mem>>) src(%dma_wait3A_311 : memref<1000000x32xf32, #tpu.memory_space<hbm>>) dst(%dma_wait3A_305 : memref<96x32xf32, #tpu.memory_space<vmem>>)
      %dma_wait3A_312 = arith.constant 0 : i32
      %dma_wait3A_313 = arith.constant 96 : i32
      %dma_wait3A_314 = arith.constant 0 : i32
      %dma_wait3A_315 = tpu.memref_slice %arg7[%dma_wait3A_312, %dma_wait3A_313, %dma_wait3A_314] : memref<2x400x32xf32, #tpu.memory_space<vmem>> -> memref<1x104x32xf32, #tpu.memory_space<vmem>>
      %dma_wait3A_316 = tpu.memref_squeeze %dma_wait3A_315 : memref<1x104x32xf32, #tpu.memory_space<vmem>> -> memref<104x32xf32, #tpu.memory_space<vmem>>
      %dma_wait3A_317 = arith.constant 96 : i32
      %dma_wait3A_318 = tpu.memref_slice %arg6[%add3A_289, %dma_wait3A_317] : memref<128x200xi32, #tpu.memory_space<vmem>> -> memref<1x104xi32, #tpu.memory_space<vmem>>
      %dma_wait3A_319 = tpu.memref_squeeze %dma_wait3A_318 : memref<1x104xi32, #tpu.memory_space<vmem>> -> memref<104xi32, #tpu.memory_space<vmem>>
      %dma_wait3A_320 = arith.constant 0 : i32
      %dma_wait3A_321 = arith.constant 0 : i32
      %dma_wait3A_322 = tpu.memref_slice %arg2[%dma_wait3A_320, %dma_wait3A_321] : memref<1000000x32xf32, #tpu.memory_space<hbm>> -> memref<1000000x32xf32, #tpu.memory_space<hbm>>
      tpu.wait_indirect_dma semaphore(%arg10 : memref<!tpu.dma_semaphore, #tpu.memory_space<semaphore_mem>>) src(%dma_wait3A_322 : memref<1000000x32xf32, #tpu.memory_space<hbm>>) dst(%dma_wait3A_316 : memref<104x32xf32, #tpu.memory_space<vmem>>)
      %dma_wait3A_323 = arith.constant 0 : i32
      %dma_wait3A_324 = arith.constant 96 : i32
      %dma_wait3A_325 = arith.constant 0 : i32
      %dma_wait3A_326 = tpu.memref_slice %arg8[%dma_wait3A_323, %dma_wait3A_324, %dma_wait3A_325] : memref<2x400x32xf32, #tpu.memory_space<vmem>> -> memref<1x104x32xf32, #tpu.memory_space<vmem>>
      %dma_wait3A_327 = tpu.memref_squeeze %dma_wait3A_326 : memref<1x104x32xf32, #tpu.memory_space<vmem>> -> memref<104x32xf32, #tpu.memory_space<vmem>>
      %dma_wait3A_328 = arith.constant 96 : i32
      %dma_wait3A_329 = tpu.memref_slice %arg6[%add3A_289, %dma_wait3A_328] : memref<128x200xi32, #tpu.memory_space<vmem>> -> memref<1x104xi32, #tpu.memory_space<vmem>>
      %dma_wait3A_330 = tpu.memref_squeeze %dma_wait3A_329 : memref<1x104xi32, #tpu.memory_space<vmem>> -> memref<104xi32, #tpu.memory_space<vmem>>
      %dma_wait3A_331 = arith.constant 0 : i32
      %dma_wait3A_332 = arith.constant 0 : i32
      %dma_wait3A_333 = tpu.memref_slice %arg3[%dma_wait3A_331, %dma_wait3A_332] : memref<1000000x32xf32, #tpu.memory_space<hbm>> -> memref<1000000x32xf32, #tpu.memory_space<hbm>>
      tpu.wait_indirect_dma semaphore(%arg18 : memref<!tpu.dma_semaphore, #tpu.memory_space<semaphore_mem>>) src(%dma_wait3A_333 : memref<1000000x32xf32, #tpu.memory_space<hbm>>) dst(%dma_wait3A_327 : memref<104x32xf32, #tpu.memory_space<vmem>>)
      %add3A_334 = arith.constant 0 : i32
      %add3A_335 = arith.addi %mul3A_87, %add3A_334 : i32
      %add3A_336 = arith.constant 1 : i32
      %add3A_337 = arith.addi %add3A_335, %add3A_336 : i32
      %dma_wait3A_338 = arith.constant 0 : i32
      %dma_wait3A_339 = arith.constant 200 : i32
      %dma_wait3A_340 = arith.constant 0 : i32
      %dma_wait3A_341 = tpu.memref_slice %arg7[%dma_wait3A_338, %dma_wait3A_339, %dma_wait3A_340] : memref<2x400x32xf32, #tpu.memory_space<vmem>> -> memref<1x96x32xf32, #tpu.memory_space<vmem>>
      %dma_wait3A_342 = tpu.memref_squeeze %dma_wait3A_341 : memref<1x96x32xf32, #tpu.memory_space<vmem>> -> memref<96x32xf32, #tpu.memory_space<vmem>>
      %dma_wait3A_343 = arith.constant 0 : i32
      %dma_wait3A_344 = tpu.memref_slice %arg6[%add3A_337, %dma_wait3A_343] : memref<128x200xi32, #tpu.memory_space<vmem>> -> memref<1x96xi32, #tpu.memory_space<vmem>>
      %dma_wait3A_345 = tpu.memref_squeeze %dma_wait3A_344 : memref<1x96xi32, #tpu.memory_space<vmem>> -> memref<96xi32, #tpu.memory_space<vmem>>
      %dma_wait3A_346 = arith.constant 0 : i32
      %dma_wait3A_347 = arith.constant 0 : i32
      %dma_wait3A_348 = tpu.memref_slice %arg2[%dma_wait3A_346, %dma_wait3A_347] : memref<1000000x32xf32, #tpu.memory_space<hbm>> -> memref<1000000x32xf32, #tpu.memory_space<hbm>>
      tpu.wait_indirect_dma semaphore(%arg11 : memref<!tpu.dma_semaphore, #tpu.memory_space<semaphore_mem>>) src(%dma_wait3A_348 : memref<1000000x32xf32, #tpu.memory_space<hbm>>) dst(%dma_wait3A_342 : memref<96x32xf32, #tpu.memory_space<vmem>>)
      %dma_wait3A_349 = arith.constant 0 : i32
      %dma_wait3A_350 = arith.constant 200 : i32
      %dma_wait3A_351 = arith.constant 0 : i32
      %dma_wait3A_352 = tpu.memref_slice %arg8[%dma_wait3A_349, %dma_wait3A_350, %dma_wait3A_351] : memref<2x400x32xf32, #tpu.memory_space<vmem>> -> memref<1x96x32xf32, #tpu.memory_space<vmem>>
      %dma_wait3A_353 = tpu.memref_squeeze %dma_wait3A_352 : memref<1x96x32xf32, #tpu.memory_space<vmem>> -> memref<96x32xf32, #tpu.memory_space<vmem>>
      %dma_wait3A_354 = arith.constant 0 : i32
      %dma_wait3A_355 = tpu.memref_slice %arg6[%add3A_337, %dma_wait3A_354] : memref<128x200xi32, #tpu.memory_space<vmem>> -> memref<1x96xi32, #tpu.memory_space<vmem>>
      %dma_wait3A_356 = tpu.memref_squeeze %dma_wait3A_355 : memref<1x96xi32, #tpu.memory_space<vmem>> -> memref<96xi32, #tpu.memory_space<vmem>>
      %dma_wait3A_357 = arith.constant 0 : i32
      %dma_wait3A_358 = arith.constant 0 : i32
      %dma_wait3A_359 = tpu.memref_slice %arg3[%dma_wait3A_357, %dma_wait3A_358] : memref<1000000x32xf32, #tpu.memory_space<hbm>> -> memref<1000000x32xf32, #tpu.memory_space<hbm>>
      tpu.wait_indirect_dma semaphore(%arg19 : memref<!tpu.dma_semaphore, #tpu.memory_space<semaphore_mem>>) src(%dma_wait3A_359 : memref<1000000x32xf32, #tpu.memory_space<hbm>>) dst(%dma_wait3A_353 : memref<96x32xf32, #tpu.memory_space<vmem>>)
      %dma_wait3A_360 = arith.constant 0 : i32
      %dma_wait3A_361 = arith.constant 296 : i32
      %dma_wait3A_362 = arith.constant 0 : i32
      %dma_wait3A_363 = tpu.memref_slice %arg7[%dma_wait3A_360, %dma_wait3A_361, %dma_wait3A_362] : memref<2x400x32xf32, #tpu.memory_space<vmem>> -> memref<1x104x32xf32, #tpu.memory_space<vmem>>
      %dma_wait3A_364 = tpu.memref_squeeze %dma_wait3A_363 : memref<1x104x32xf32, #tpu.memory_space<vmem>> -> memref<104x32xf32, #tpu.memory_space<vmem>>
      %dma_wait3A_365 = arith.constant 96 : i32
      %dma_wait3A_366 = tpu.memref_slice %arg6[%add3A_337, %dma_wait3A_365] : memref<128x200xi32, #tpu.memory_space<vmem>> -> memref<1x104xi32, #tpu.memory_space<vmem>>
      %dma_wait3A_367 = tpu.memref_squeeze %dma_wait3A_366 : memref<1x104xi32, #tpu.memory_space<vmem>> -> memref<104xi32, #tpu.memory_space<vmem>>
      %dma_wait3A_368 = arith.constant 0 : i32
      %dma_wait3A_369 = arith.constant 0 : i32
      %dma_wait3A_370 = tpu.memref_slice %arg2[%dma_wait3A_368, %dma_wait3A_369] : memref<1000000x32xf32, #tpu.memory_space<hbm>> -> memref<1000000x32xf32, #tpu.memory_space<hbm>>
      tpu.wait_indirect_dma semaphore(%arg12 : memref<!tpu.dma_semaphore, #tpu.memory_space<semaphore_mem>>) src(%dma_wait3A_370 : memref<1000000x32xf32, #tpu.memory_space<hbm>>) dst(%dma_wait3A_364 : memref<104x32xf32, #tpu.memory_space<vmem>>)
      %dma_wait3A_371 = arith.constant 0 : i32
      %dma_wait3A_372 = arith.constant 296 : i32
      %dma_wait3A_373 = arith.constant 0 : i32
      %dma_wait3A_374 = tpu.memref_slice %arg8[%dma_wait3A_371, %dma_wait3A_372, %dma_wait3A_373] : memref<2x400x32xf32, #tpu.memory_space<vmem>> -> memref<1x104x32xf32, #tpu.memory_space<vmem>>
      %dma_wait3A_375 = tpu.memref_squeeze %dma_wait3A_374 : memref<1x104x32xf32, #tpu.memory_space<vmem>> -> memref<104x32xf32, #tpu.memory_space<vmem>>
      %dma_wait3A_376 = arith.constant 96 : i32
      %dma_wait3A_377 = tpu.memref_slice %arg6[%add3A_337, %dma_wait3A_376] : memref<128x200xi32, #tpu.memory_space<vmem>> -> memref<1x104xi32, #tpu.memory_space<vmem>>
      %dma_wait3A_378 = tpu.memref_squeeze %dma_wait3A_377 : memref<1x104xi32, #tpu.memory_space<vmem>> -> memref<104xi32, #tpu.memory_space<vmem>>
      %dma_wait3A_379 = arith.constant 0 : i32
      %dma_wait3A_380 = arith.constant 0 : i32
      %dma_wait3A_381 = tpu.memref_slice %arg3[%dma_wait3A_379, %dma_wait3A_380] : memref<1000000x32xf32, #tpu.memory_space<hbm>> -> memref<1000000x32xf32, #tpu.memory_space<hbm>>
      tpu.wait_indirect_dma semaphore(%arg20 : memref<!tpu.dma_semaphore, #tpu.memory_space<semaphore_mem>>) src(%dma_wait3A_381 : memref<1000000x32xf32, #tpu.memory_space<hbm>>) dst(%dma_wait3A_375 : memref<104x32xf32, #tpu.memory_space<vmem>>)
      %add3A_382 = arith.addi %mul3A_2, %mul3A_87 : i32
      %add3A_383 = arith.constant 0 : i32
      %add3A_384 = arith.addi %add3A_382, %add3A_383 : i32
      %mul3A_385 = arith.constant 200 : i32
      %mul3A_386 = arith.muli %add3A_384, %mul3A_385 : i32
      %dma_start3A_387 = arith.constant 0 : i32
      %dma_start3A_388 = arith.constant 0 : i32
      %dma_start3A_389 = arith.constant 0 : i32
      %dma_start3A_390 = tpu.memref_slice %arg7[%dma_start3A_387, %dma_start3A_388, %dma_start3A_389] : memref<2x400x32xf32, #tpu.memory_space<vmem>> -> memref<1x400x32xf32, #tpu.memory_space<vmem>>
      %dma_start3A_391 = tpu.memref_squeeze %dma_start3A_390 : memref<1x400x32xf32, #tpu.memory_space<vmem>> -> memref<400x32xf32, #tpu.memory_space<vmem>>
      %dma_start3A_392 = arith.constant 0 : i32
      %dma_start3A_393 = tpu.memref_slice %arg5[%mul3A_386, %dma_start3A_392] : memref<819200x128xf32, #tpu.memory_space<hbm>> -> memref<400x32xf32, #tpu.memory_space<hbm>>
      %dma_start3A_394 = arith.constant 0 : i32
      %dma_start3A_395 = tpu.memref_slice %arg5[%mul3A_386, %dma_start3A_394] : memref<819200x128xf32, #tpu.memory_space<hbm>> -> memref<400x32xf32, #tpu.memory_space<hbm>>
      %dma_start3A_396 = arith.constant 0 : i32
      %dma_start3A_397 = arith.constant 0 : i32
      %dma_start3A_398 = tpu.memref_slice %arg7[%dma_start3A_387, %dma_start3A_396, %dma_start3A_397] : memref<2x400x32xf32, #tpu.memory_space<vmem>> -> memref<1x400x32xf32, #tpu.memory_space<vmem>>
      %dma_start3A_399 = tpu.memref_squeeze %dma_start3A_398 : memref<1x400x32xf32, #tpu.memory_space<vmem>> -> memref<400x32xf32, #tpu.memory_space<vmem>>
      tpu.enqueue_dma source(%dma_start3A_399 : memref<400x32xf32, #tpu.memory_space<vmem>>) target(%dma_start3A_395 : memref<400x32xf32, #tpu.memory_space<hbm>>) target_semaphore(%arg25 : memref<!tpu.dma_semaphore, #tpu.memory_space<semaphore_mem>>)
      %add3A_400 = arith.addi %mul3A_2, %mul3A_87 : i32
      %add3A_401 = arith.constant 0 : i32
      %add3A_402 = arith.addi %add3A_400, %add3A_401 : i32
      %mul3A_403 = arith.constant 200 : i32
      %mul3A_404 = arith.muli %add3A_402, %mul3A_403 : i32
      %dma_start3A_405 = arith.constant 0 : i32
      %dma_start3A_406 = arith.constant 0 : i32
      %dma_start3A_407 = arith.constant 0 : i32
      %dma_start3A_408 = tpu.memref_slice %arg8[%dma_start3A_405, %dma_start3A_406, %dma_start3A_407] : memref<2x400x32xf32, #tpu.memory_space<vmem>> -> memref<1x400x32xf32, #tpu.memory_space<vmem>>
      %dma_start3A_409 = tpu.memref_squeeze %dma_start3A_408 : memref<1x400x32xf32, #tpu.memory_space<vmem>> -> memref<400x32xf32, #tpu.memory_space<vmem>>
      %dma_start3A_410 = arith.constant 32 : i32
      %dma_start3A_411 = tpu.memref_slice %arg5[%mul3A_404, %dma_start3A_410] : memref<819200x128xf32, #tpu.memory_space<hbm>> -> memref<400x32xf32, #tpu.memory_space<hbm>>
      %dma_start3A_412 = arith.constant 32 : i32
      %dma_start3A_413 = tpu.memref_slice %arg5[%mul3A_404, %dma_start3A_412] : memref<819200x128xf32, #tpu.memory_space<hbm>> -> memref<400x32xf32, #tpu.memory_space<hbm>>
      %dma_start3A_414 = arith.constant 0 : i32
      %dma_start3A_415 = arith.constant 0 : i32
      %dma_start3A_416 = tpu.memref_slice %arg8[%dma_start3A_405, %dma_start3A_414, %dma_start3A_415] : memref<2x400x32xf32, #tpu.memory_space<vmem>> -> memref<1x400x32xf32, #tpu.memory_space<vmem>>
      %dma_start3A_417 = tpu.memref_squeeze %dma_start3A_416 : memref<1x400x32xf32, #tpu.memory_space<vmem>> -> memref<400x32xf32, #tpu.memory_space<vmem>>
      tpu.enqueue_dma source(%dma_start3A_417 : memref<400x32xf32, #tpu.memory_space<vmem>>) target(%dma_start3A_413 : memref<400x32xf32, #tpu.memory_space<hbm>>) target_semaphore(%arg27 : memref<!tpu.dma_semaphore, #tpu.memory_space<semaphore_mem>>)
      %add3A_418 = arith.constant 2 : i32
      %add3A_419 = arith.addi %mul3A_87, %add3A_418 : i32
      %add3A_420 = arith.constant 0 : i32
      %add3A_421 = arith.addi %add3A_419, %add3A_420 : i32
      %dma_wait3A_422 = arith.constant 1 : i32
      %dma_wait3A_423 = arith.constant 0 : i32
      %dma_wait3A_424 = arith.constant 0 : i32
      %dma_wait3A_425 = tpu.memref_slice %arg7[%dma_wait3A_422, %dma_wait3A_423, %dma_wait3A_424] : memref<2x400x32xf32, #tpu.memory_space<vmem>> -> memref<1x96x32xf32, #tpu.memory_space<vmem>>
      %dma_wait3A_426 = tpu.memref_squeeze %dma_wait3A_425 : memref<1x96x32xf32, #tpu.memory_space<vmem>> -> memref<96x32xf32, #tpu.memory_space<vmem>>
      %dma_wait3A_427 = arith.constant 0 : i32
      %dma_wait3A_428 = tpu.memref_slice %arg6[%add3A_421, %dma_wait3A_427] : memref<128x200xi32, #tpu.memory_space<vmem>> -> memref<1x96xi32, #tpu.memory_space<vmem>>
      %dma_wait3A_429 = tpu.memref_squeeze %dma_wait3A_428 : memref<1x96xi32, #tpu.memory_space<vmem>> -> memref<96xi32, #tpu.memory_space<vmem>>
      %dma_wait3A_430 = arith.constant 0 : i32
      %dma_wait3A_431 = arith.constant 0 : i32
      %dma_wait3A_432 = tpu.memref_slice %arg2[%dma_wait3A_430, %dma_wait3A_431] : memref<1000000x32xf32, #tpu.memory_space<hbm>> -> memref<1000000x32xf32, #tpu.memory_space<hbm>>
      tpu.wait_indirect_dma semaphore(%arg13 : memref<!tpu.dma_semaphore, #tpu.memory_space<semaphore_mem>>) src(%dma_wait3A_432 : memref<1000000x32xf32, #tpu.memory_space<hbm>>) dst(%dma_wait3A_426 : memref<96x32xf32, #tpu.memory_space<vmem>>)
      %dma_wait3A_433 = arith.constant 1 : i32
      %dma_wait3A_434 = arith.constant 0 : i32
      %dma_wait3A_435 = arith.constant 0 : i32
      %dma_wait3A_436 = tpu.memref_slice %arg8[%dma_wait3A_433, %dma_wait3A_434, %dma_wait3A_435] : memref<2x400x32xf32, #tpu.memory_space<vmem>> -> memref<1x96x32xf32, #tpu.memory_space<vmem>>
      %dma_wait3A_437 = tpu.memref_squeeze %dma_wait3A_436 : memref<1x96x32xf32, #tpu.memory_space<vmem>> -> memref<96x32xf32, #tpu.memory_space<vmem>>
      %dma_wait3A_438 = arith.constant 0 : i32
      %dma_wait3A_439 = tpu.memref_slice %arg6[%add3A_421, %dma_wait3A_438] : memref<128x200xi32, #tpu.memory_space<vmem>> -> memref<1x96xi32, #tpu.memory_space<vmem>>
      %dma_wait3A_440 = tpu.memref_squeeze %dma_wait3A_439 : memref<1x96xi32, #tpu.memory_space<vmem>> -> memref<96xi32, #tpu.memory_space<vmem>>
      %dma_wait3A_441 = arith.constant 0 : i32
      %dma_wait3A_442 = arith.constant 0 : i32
      %dma_wait3A_443 = tpu.memref_slice %arg3[%dma_wait3A_441, %dma_wait3A_442] : memref<1000000x32xf32, #tpu.memory_space<hbm>> -> memref<1000000x32xf32, #tpu.memory_space<hbm>>
      tpu.wait_indirect_dma semaphore(%arg21 : memref<!tpu.dma_semaphore, #tpu.memory_space<semaphore_mem>>) src(%dma_wait3A_443 : memref<1000000x32xf32, #tpu.memory_space<hbm>>) dst(%dma_wait3A_437 : memref<96x32xf32, #tpu.memory_space<vmem>>)
      %dma_wait3A_444 = arith.constant 1 : i32
      %dma_wait3A_445 = arith.constant 96 : i32
      %dma_wait3A_446 = arith.constant 0 : i32
      %dma_wait3A_447 = tpu.memref_slice %arg7[%dma_wait3A_444, %dma_wait3A_445, %dma_wait3A_446] : memref<2x400x32xf32, #tpu.memory_space<vmem>> -> memref<1x104x32xf32, #tpu.memory_space<vmem>>
      %dma_wait3A_448 = tpu.memref_squeeze %dma_wait3A_447 : memref<1x104x32xf32, #tpu.memory_space<vmem>> -> memref<104x32xf32, #tpu.memory_space<vmem>>
      %dma_wait3A_449 = arith.constant 96 : i32
      %dma_wait3A_450 = tpu.memref_slice %arg6[%add3A_421, %dma_wait3A_449] : memref<128x200xi32, #tpu.memory_space<vmem>> -> memref<1x104xi32, #tpu.memory_space<vmem>>
      %dma_wait3A_451 = tpu.memref_squeeze %dma_wait3A_450 : memref<1x104xi32, #tpu.memory_space<vmem>> -> memref<104xi32, #tpu.memory_space<vmem>>
      %dma_wait3A_452 = arith.constant 0 : i32
      %dma_wait3A_453 = arith.constant 0 : i32
      %dma_wait3A_454 = tpu.memref_slice %arg2[%dma_wait3A_452, %dma_wait3A_453] : memref<1000000x32xf32, #tpu.memory_space<hbm>> -> memref<1000000x32xf32, #tpu.memory_space<hbm>>
      tpu.wait_indirect_dma semaphore(%arg14 : memref<!tpu.dma_semaphore, #tpu.memory_space<semaphore_mem>>) src(%dma_wait3A_454 : memref<1000000x32xf32, #tpu.memory_space<hbm>>) dst(%dma_wait3A_448 : memref<104x32xf32, #tpu.memory_space<vmem>>)
      %dma_wait3A_455 = arith.constant 1 : i32
      %dma_wait3A_456 = arith.constant 96 : i32
      %dma_wait3A_457 = arith.constant 0 : i32
      %dma_wait3A_458 = tpu.memref_slice %arg8[%dma_wait3A_455, %dma_wait3A_456, %dma_wait3A_457] : memref<2x400x32xf32, #tpu.memory_space<vmem>> -> memref<1x104x32xf32, #tpu.memory_space<vmem>>
      %dma_wait3A_459 = tpu.memref_squeeze %dma_wait3A_458 : memref<1x104x32xf32, #tpu.memory_space<vmem>> -> memref<104x32xf32, #tpu.memory_space<vmem>>
      %dma_wait3A_460 = arith.constant 96 : i32
      %dma_wait3A_461 = tpu.memref_slice %arg6[%add3A_421, %dma_wait3A_460] : memref<128x200xi32, #tpu.memory_space<vmem>> -> memref<1x104xi32, #tpu.memory_space<vmem>>
      %dma_wait3A_462 = tpu.memref_squeeze %dma_wait3A_461 : memref<1x104xi32, #tpu.memory_space<vmem>> -> memref<104xi32, #tpu.memory_space<vmem>>
      %dma_wait3A_463 = arith.constant 0 : i32
      %dma_wait3A_464 = arith.constant 0 : i32
      %dma_wait3A_465 = tpu.memref_slice %arg3[%dma_wait3A_463, %dma_wait3A_464] : memref<1000000x32xf32, #tpu.memory_space<hbm>> -> memref<1000000x32xf32, #tpu.memory_space<hbm>>
      tpu.wait_indirect_dma semaphore(%arg22 : memref<!tpu.dma_semaphore, #tpu.memory_space<semaphore_mem>>) src(%dma_wait3A_465 : memref<1000000x32xf32, #tpu.memory_space<hbm>>) dst(%dma_wait3A_459 : memref<104x32xf32, #tpu.memory_space<vmem>>)
      %add3A_466 = arith.constant 2 : i32
      %add3A_467 = arith.addi %mul3A_87, %add3A_466 : i32
      %add3A_468 = arith.constant 1 : i32
      %add3A_469 = arith.addi %add3A_467, %add3A_468 : i32
      %dma_wait3A_470 = arith.constant 1 : i32
      %dma_wait3A_471 = arith.constant 200 : i32
      %dma_wait3A_472 = arith.constant 0 : i32
      %dma_wait3A_473 = tpu.memref_slice %arg7[%dma_wait3A_470, %dma_wait3A_471, %dma_wait3A_472] : memref<2x400x32xf32, #tpu.memory_space<vmem>> -> memref<1x96x32xf32, #tpu.memory_space<vmem>>
      %dma_wait3A_474 = tpu.memref_squeeze %dma_wait3A_473 : memref<1x96x32xf32, #tpu.memory_space<vmem>> -> memref<96x32xf32, #tpu.memory_space<vmem>>
      %dma_wait3A_475 = arith.constant 0 : i32
      %dma_wait3A_476 = tpu.memref_slice %arg6[%add3A_469, %dma_wait3A_475] : memref<128x200xi32, #tpu.memory_space<vmem>> -> memref<1x96xi32, #tpu.memory_space<vmem>>
      %dma_wait3A_477 = tpu.memref_squeeze %dma_wait3A_476 : memref<1x96xi32, #tpu.memory_space<vmem>> -> memref<96xi32, #tpu.memory_space<vmem>>
      %dma_wait3A_478 = arith.constant 0 : i32
      %dma_wait3A_479 = arith.constant 0 : i32
      %dma_wait3A_480 = tpu.memref_slice %arg2[%dma_wait3A_478, %dma_wait3A_479] : memref<1000000x32xf32, #tpu.memory_space<hbm>> -> memref<1000000x32xf32, #tpu.memory_space<hbm>>
      tpu.wait_indirect_dma semaphore(%arg15 : memref<!tpu.dma_semaphore, #tpu.memory_space<semaphore_mem>>) src(%dma_wait3A_480 : memref<1000000x32xf32, #tpu.memory_space<hbm>>) dst(%dma_wait3A_474 : memref<96x32xf32, #tpu.memory_space<vmem>>)
      %dma_wait3A_481 = arith.constant 1 : i32
      %dma_wait3A_482 = arith.constant 200 : i32
      %dma_wait3A_483 = arith.constant 0 : i32
      %dma_wait3A_484 = tpu.memref_slice %arg8[%dma_wait3A_481, %dma_wait3A_482, %dma_wait3A_483] : memref<2x400x32xf32, #tpu.memory_space<vmem>> -> memref<1x96x32xf32, #tpu.memory_space<vmem>>
      %dma_wait3A_485 = tpu.memref_squeeze %dma_wait3A_484 : memref<1x96x32xf32, #tpu.memory_space<vmem>> -> memref<96x32xf32, #tpu.memory_space<vmem>>
      %dma_wait3A_486 = arith.constant 0 : i32
      %dma_wait3A_487 = tpu.memref_slice %arg6[%add3A_469, %dma_wait3A_486] : memref<128x200xi32, #tpu.memory_space<vmem>> -> memref<1x96xi32, #tpu.memory_space<vmem>>
      %dma_wait3A_488 = tpu.memref_squeeze %dma_wait3A_487 : memref<1x96xi32, #tpu.memory_space<vmem>> -> memref<96xi32, #tpu.memory_space<vmem>>
      %dma_wait3A_489 = arith.constant 0 : i32
      %dma_wait3A_490 = arith.constant 0 : i32
      %dma_wait3A_491 = tpu.memref_slice %arg3[%dma_wait3A_489, %dma_wait3A_490] : memref<1000000x32xf32, #tpu.memory_space<hbm>> -> memref<1000000x32xf32, #tpu.memory_space<hbm>>
      tpu.wait_indirect_dma semaphore(%arg23 : memref<!tpu.dma_semaphore, #tpu.memory_space<semaphore_mem>>) src(%dma_wait3A_491 : memref<1000000x32xf32, #tpu.memory_space<hbm>>) dst(%dma_wait3A_485 : memref<96x32xf32, #tpu.memory_space<vmem>>)
      %dma_wait3A_492 = arith.constant 1 : i32
      %dma_wait3A_493 = arith.constant 296 : i32
      %dma_wait3A_494 = arith.constant 0 : i32
      %dma_wait3A_495 = tpu.memref_slice %arg7[%dma_wait3A_492, %dma_wait3A_493, %dma_wait3A_494] : memref<2x400x32xf32, #tpu.memory_space<vmem>> -> memref<1x104x32xf32, #tpu.memory_space<vmem>>
      %dma_wait3A_496 = tpu.memref_squeeze %dma_wait3A_495 : memref<1x104x32xf32, #tpu.memory_space<vmem>> -> memref<104x32xf32, #tpu.memory_space<vmem>>
      %dma_wait3A_497 = arith.constant 96 : i32
      %dma_wait3A_498 = tpu.memref_slice %arg6[%add3A_469, %dma_wait3A_497] : memref<128x200xi32, #tpu.memory_space<vmem>> -> memref<1x104xi32, #tpu.memory_space<vmem>>
      %dma_wait3A_499 = tpu.memref_squeeze %dma_wait3A_498 : memref<1x104xi32, #tpu.memory_space<vmem>> -> memref<104xi32, #tpu.memory_space<vmem>>
      %dma_wait3A_500 = arith.constant 0 : i32
      %dma_wait3A_501 = arith.constant 0 : i32
      %dma_wait3A_502 = tpu.memref_slice %arg2[%dma_wait3A_500, %dma_wait3A_501] : memref<1000000x32xf32, #tpu.memory_space<hbm>> -> memref<1000000x32xf32, #tpu.memory_space<hbm>>
      tpu.wait_indirect_dma semaphore(%arg16 : memref<!tpu.dma_semaphore, #tpu.memory_space<semaphore_mem>>) src(%dma_wait3A_502 : memref<1000000x32xf32, #tpu.memory_space<hbm>>) dst(%dma_wait3A_496 : memref<104x32xf32, #tpu.memory_space<vmem>>)
      %dma_wait3A_503 = arith.constant 1 : i32
      %dma_wait3A_504 = arith.constant 296 : i32
      %dma_wait3A_505 = arith.constant 0 : i32
      %dma_wait3A_506 = tpu.memref_slice %arg8[%dma_wait3A_503, %dma_wait3A_504, %dma_wait3A_505] : memref<2x400x32xf32, #tpu.memory_space<vmem>> -> memref<1x104x32xf32, #tpu.memory_space<vmem>>
      %dma_wait3A_507 = tpu.memref_squeeze %dma_wait3A_506 : memref<1x104x32xf32, #tpu.memory_space<vmem>> -> memref<104x32xf32, #tpu.memory_space<vmem>>
      %dma_wait3A_508 = arith.constant 96 : i32
      %dma_wait3A_509 = tpu.memref_slice %arg6[%add3A_469, %dma_wait3A_508] : memref<128x200xi32, #tpu.memory_space<vmem>> -> memref<1x104xi32, #tpu.memory_space<vmem>>
      %dma_wait3A_510 = tpu.memref_squeeze %dma_wait3A_509 : memref<1x104xi32, #tpu.memory_space<vmem>> -> memref<104xi32, #tpu.memory_space<vmem>>
      %dma_wait3A_511 = arith.constant 0 : i32
      %dma_wait3A_512 = arith.constant 0 : i32
      %dma_wait3A_513 = tpu.memref_slice %arg3[%dma_wait3A_511, %dma_wait3A_512] : memref<1000000x32xf32, #tpu.memory_space<hbm>> -> memref<1000000x32xf32, #tpu.memory_space<hbm>>
      tpu.wait_indirect_dma semaphore(%arg24 : memref<!tpu.dma_semaphore, #tpu.memory_space<semaphore_mem>>) src(%dma_wait3A_513 : memref<1000000x32xf32, #tpu.memory_space<hbm>>) dst(%dma_wait3A_507 : memref<104x32xf32, #tpu.memory_space<vmem>>)
      %add3A_514 = arith.addi %mul3A_2, %mul3A_87 : i32
      %add3A_515 = arith.constant 2 : i32
      %add3A_516 = arith.addi %add3A_514, %add3A_515 : i32
      %mul3A_517 = arith.constant 200 : i32
      %mul3A_518 = arith.muli %add3A_516, %mul3A_517 : i32
      %dma_start3A_519 = arith.constant 1 : i32
      %dma_start3A_520 = arith.constant 0 : i32
      %dma_start3A_521 = arith.constant 0 : i32
      %dma_start3A_522 = tpu.memref_slice %arg7[%dma_start3A_519, %dma_start3A_520, %dma_start3A_521] : memref<2x400x32xf32, #tpu.memory_space<vmem>> -> memref<1x400x32xf32, #tpu.memory_space<vmem>>
      %dma_start3A_523 = tpu.memref_squeeze %dma_start3A_522 : memref<1x400x32xf32, #tpu.memory_space<vmem>> -> memref<400x32xf32, #tpu.memory_space<vmem>>
      %dma_start3A_524 = arith.constant 0 : i32
      %dma_start3A_525 = tpu.memref_slice %arg5[%mul3A_518, %dma_start3A_524] : memref<819200x128xf32, #tpu.memory_space<hbm>> -> memref<400x32xf32, #tpu.memory_space<hbm>>
      %dma_start3A_526 = arith.constant 0 : i32
      %dma_start3A_527 = tpu.memref_slice %arg5[%mul3A_518, %dma_start3A_526] : memref<819200x128xf32, #tpu.memory_space<hbm>> -> memref<400x32xf32, #tpu.memory_space<hbm>>
      %dma_start3A_528 = arith.constant 0 : i32
      %dma_start3A_529 = arith.constant 0 : i32
      %dma_start3A_530 = tpu.memref_slice %arg7[%dma_start3A_519, %dma_start3A_528, %dma_start3A_529] : memref<2x400x32xf32, #tpu.memory_space<vmem>> -> memref<1x400x32xf32, #tpu.memory_space<vmem>>
      %dma_start3A_531 = tpu.memref_squeeze %dma_start3A_530 : memref<1x400x32xf32, #tpu.memory_space<vmem>> -> memref<400x32xf32, #tpu.memory_space<vmem>>
      tpu.enqueue_dma source(%dma_start3A_531 : memref<400x32xf32, #tpu.memory_space<vmem>>) target(%dma_start3A_527 : memref<400x32xf32, #tpu.memory_space<hbm>>) target_semaphore(%arg26 : memref<!tpu.dma_semaphore, #tpu.memory_space<semaphore_mem>>)
      %add3A_532 = arith.addi %mul3A_2, %mul3A_87 : i32
      %add3A_533 = arith.constant 2 : i32
      %add3A_534 = arith.addi %add3A_532, %add3A_533 : i32
      %mul3A_535 = arith.constant 200 : i32
      %mul3A_536 = arith.muli %add3A_534, %mul3A_535 : i32
      %dma_start3A_537 = arith.constant 1 : i32
      %dma_start3A_538 = arith.constant 0 : i32
      %dma_start3A_539 = arith.constant 0 : i32
      %dma_start3A_540 = tpu.memref_slice %arg8[%dma_start3A_537, %dma_start3A_538, %dma_start3A_539] : memref<2x400x32xf32, #tpu.memory_space<vmem>> -> memref<1x400x32xf32, #tpu.memory_space<vmem>>
      %dma_start3A_541 = tpu.memref_squeeze %dma_start3A_540 : memref<1x400x32xf32, #tpu.memory_space<vmem>> -> memref<400x32xf32, #tpu.memory_space<vmem>>
      %dma_start3A_542 = arith.constant 32 : i32
      %dma_start3A_543 = tpu.memref_slice %arg5[%mul3A_536, %dma_start3A_542] : memref<819200x128xf32, #tpu.memory_space<hbm>> -> memref<400x32xf32, #tpu.memory_space<hbm>>
      %dma_start3A_544 = arith.constant 32 : i32
      %dma_start3A_545 = tpu.memref_slice %arg5[%mul3A_536, %dma_start3A_544] : memref<819200x128xf32, #tpu.memory_space<hbm>> -> memref<400x32xf32, #tpu.memory_space<hbm>>
      %dma_start3A_546 = arith.constant 0 : i32
      %dma_start3A_547 = arith.constant 0 : i32
      %dma_start3A_548 = tpu.memref_slice %arg8[%dma_start3A_537, %dma_start3A_546, %dma_start3A_547] : memref<2x400x32xf32, #tpu.memory_space<vmem>> -> memref<1x400x32xf32, #tpu.memory_space<vmem>>
      %dma_start3A_549 = tpu.memref_squeeze %dma_start3A_548 : memref<1x400x32xf32, #tpu.memory_space<vmem>> -> memref<400x32xf32, #tpu.memory_space<vmem>>
      tpu.enqueue_dma source(%dma_start3A_549 : memref<400x32xf32, #tpu.memory_space<vmem>>) target(%dma_start3A_545 : memref<400x32xf32, #tpu.memory_space<hbm>>) target_semaphore(%arg28 : memref<!tpu.dma_semaphore, #tpu.memory_space<semaphore_mem>>)
    }
    %scan3A_7 = arith.constant 32 : i32
    %add3A_8 = arith.constant 124 : i32
    %add3A_9 = arith.addi %mul3A_2, %add3A_8 : i32
    %add3A_10 = arith.constant 0 : i32
    %add3A_11 = arith.addi %add3A_9, %add3A_10 : i32
    %mul3A_12 = arith.constant 200 : i32
    %mul3A_13 = arith.muli %add3A_11, %mul3A_12 : i32
    %dma_wait3A = arith.constant 0 : i32
    %dma_wait3A_14 = arith.constant 0 : i32
    %dma_wait3A_15 = arith.constant 0 : i32
    %dma_wait3A_16 = tpu.memref_slice %arg7[%dma_wait3A, %dma_wait3A_14, %dma_wait3A_15] : memref<2x400x32xf32, #tpu.memory_space<vmem>> -> memref<1x400x32xf32, #tpu.memory_space<vmem>>
    %dma_wait3A_17 = tpu.memref_squeeze %dma_wait3A_16 : memref<1x400x32xf32, #tpu.memory_space<vmem>> -> memref<400x32xf32, #tpu.memory_space<vmem>>
    %dma_wait3A_18 = arith.constant 0 : i32
    %dma_wait3A_19 = tpu.memref_slice %arg5[%mul3A_13, %dma_wait3A_18] : memref<819200x128xf32, #tpu.memory_space<hbm>> -> memref<400x32xf32, #tpu.memory_space<hbm>>
    %dma_wait3A_20 = arith.constant 0 : i32
    %dma_wait3A_21 = tpu.memref_slice %arg5[%mul3A_13, %dma_wait3A_20] : memref<819200x128xf32, #tpu.memory_space<hbm>> -> memref<400x32xf32, #tpu.memory_space<hbm>>
    %dma_wait3A_22 = arith.constant 0 : i32
    %dma_wait3A_23 = arith.constant 0 : i32
    %dma_wait3A_24 = tpu.memref_slice %arg7[%dma_wait3A, %dma_wait3A_22, %dma_wait3A_23] : memref<2x400x32xf32, #tpu.memory_space<vmem>> -> memref<1x400x32xf32, #tpu.memory_space<vmem>>
    %dma_wait3A_25 = tpu.memref_squeeze %dma_wait3A_24 : memref<1x400x32xf32, #tpu.memory_space<vmem>> -> memref<400x32xf32, #tpu.memory_space<vmem>>
    tpu.wait_dma2 semaphore(%arg25 : memref<!tpu.dma_semaphore, #tpu.memory_space<semaphore_mem>>) src(%dma_wait3A_25 : memref<400x32xf32, #tpu.memory_space<vmem>>) dst(%dma_wait3A_21 : memref<400x32xf32, #tpu.memory_space<hbm>>)
    %add3A_26 = arith.constant 124 : i32
    %add3A_27 = arith.addi %mul3A_2, %add3A_26 : i32
    %add3A_28 = arith.constant 0 : i32
    %add3A_29 = arith.addi %add3A_27, %add3A_28 : i32
    %mul3A_30 = arith.constant 200 : i32
    %mul3A_31 = arith.muli %add3A_29, %mul3A_30 : i32
    %dma_wait3A_32 = arith.constant 0 : i32
    %dma_wait3A_33 = arith.constant 0 : i32
    %dma_wait3A_34 = arith.constant 0 : i32
    %dma_wait3A_35 = tpu.memref_slice %arg8[%dma_wait3A_32, %dma_wait3A_33, %dma_wait3A_34] : memref<2x400x32xf32, #tpu.memory_space<vmem>> -> memref<1x400x32xf32, #tpu.memory_space<vmem>>
    %dma_wait3A_36 = tpu.memref_squeeze %dma_wait3A_35 : memref<1x400x32xf32, #tpu.memory_space<vmem>> -> memref<400x32xf32, #tpu.memory_space<vmem>>
    %dma_wait3A_37 = arith.constant 32 : i32
    %dma_wait3A_38 = tpu.memref_slice %arg5[%mul3A_31, %dma_wait3A_37] : memref<819200x128xf32, #tpu.memory_space<hbm>> -> memref<400x32xf32, #tpu.memory_space<hbm>>
    %dma_wait3A_39 = arith.constant 32 : i32
    %dma_wait3A_40 = tpu.memref_slice %arg5[%mul3A_31, %dma_wait3A_39] : memref<819200x128xf32, #tpu.memory_space<hbm>> -> memref<400x32xf32, #tpu.memory_space<hbm>>
    %dma_wait3A_41 = arith.constant 0 : i32
    %dma_wait3A_42 = arith.constant 0 : i32
    %dma_wait3A_43 = tpu.memref_slice %arg8[%dma_wait3A_32, %dma_wait3A_41, %dma_wait3A_42] : memref<2x400x32xf32, #tpu.memory_space<vmem>> -> memref<1x400x32xf32, #tpu.memory_space<vmem>>
    %dma_wait3A_44 = tpu.memref_squeeze %dma_wait3A_43 : memref<1x400x32xf32, #tpu.memory_space<vmem>> -> memref<400x32xf32, #tpu.memory_space<vmem>>
    tpu.wait_dma2 semaphore(%arg27 : memref<!tpu.dma_semaphore, #tpu.memory_space<semaphore_mem>>) src(%dma_wait3A_44 : memref<400x32xf32, #tpu.memory_space<vmem>>) dst(%dma_wait3A_40 : memref<400x32xf32, #tpu.memory_space<hbm>>)
    %add3A_45 = arith.constant 124 : i32
    %add3A_46 = arith.addi %mul3A_2, %add3A_45 : i32
    %add3A_47 = arith.constant 2 : i32
    %add3A_48 = arith.addi %add3A_46, %add3A_47 : i32
    %mul3A_49 = arith.constant 200 : i32
    %mul3A_50 = arith.muli %add3A_48, %mul3A_49 : i32
    %dma_wait3A_51 = arith.constant 1 : i32
    %dma_wait3A_52 = arith.constant 0 : i32
    %dma_wait3A_53 = arith.constant 0 : i32
    %dma_wait3A_54 = tpu.memref_slice %arg7[%dma_wait3A_51, %dma_wait3A_52, %dma_wait3A_53] : memref<2x400x32xf32, #tpu.memory_space<vmem>> -> memref<1x400x32xf32, #tpu.memory_space<vmem>>
    %dma_wait3A_55 = tpu.memref_squeeze %dma_wait3A_54 : memref<1x400x32xf32, #tpu.memory_space<vmem>> -> memref<400x32xf32, #tpu.memory_space<vmem>>
    %dma_wait3A_56 = arith.constant 0 : i32
    %dma_wait3A_57 = tpu.memref_slice %arg5[%mul3A_50, %dma_wait3A_56] : memref<819200x128xf32, #tpu.memory_space<hbm>> -> memref<400x32xf32, #tpu.memory_space<hbm>>
    %dma_wait3A_58 = arith.constant 0 : i32
    %dma_wait3A_59 = tpu.memref_slice %arg5[%mul3A_50, %dma_wait3A_58] : memref<819200x128xf32, #tpu.memory_space<hbm>> -> memref<400x32xf32, #tpu.memory_space<hbm>>
    %dma_wait3A_60 = arith.constant 0 : i32
    %dma_wait3A_61 = arith.constant 0 : i32
    %dma_wait3A_62 = tpu.memref_slice %arg7[%dma_wait3A_51, %dma_wait3A_60, %dma_wait3A_61] : memref<2x400x32xf32, #tpu.memory_space<vmem>> -> memref<1x400x32xf32, #tpu.memory_space<vmem>>
    %dma_wait3A_63 = tpu.memref_squeeze %dma_wait3A_62 : memref<1x400x32xf32, #tpu.memory_space<vmem>> -> memref<400x32xf32, #tpu.memory_space<vmem>>
    tpu.wait_dma2 semaphore(%arg26 : memref<!tpu.dma_semaphore, #tpu.memory_space<semaphore_mem>>) src(%dma_wait3A_63 : memref<400x32xf32, #tpu.memory_space<vmem>>) dst(%dma_wait3A_59 : memref<400x32xf32, #tpu.memory_space<hbm>>)
    %add3A_64 = arith.constant 124 : i32
    %add3A_65 = arith.addi %mul3A_2, %add3A_64 : i32
    %add3A_66 = arith.constant 2 : i32
    %add3A_67 = arith.addi %add3A_65, %add3A_66 : i32
    %mul3A_68 = arith.constant 200 : i32
    %mul3A_69 = arith.muli %add3A_67, %mul3A_68 : i32
    %dma_wait3A_70 = arith.constant 1 : i32
    %dma_wait3A_71 = arith.constant 0 : i32
    %dma_wait3A_72 = arith.constant 0 : i32
    %dma_wait3A_73 = tpu.memref_slice %arg8[%dma_wait3A_70, %dma_wait3A_71, %dma_wait3A_72] : memref<2x400x32xf32, #tpu.memory_space<vmem>> -> memref<1x400x32xf32, #tpu.memory_space<vmem>>
    %dma_wait3A_74 = tpu.memref_squeeze %dma_wait3A_73 : memref<1x400x32xf32, #tpu.memory_space<vmem>> -> memref<400x32xf32, #tpu.memory_space<vmem>>
    %dma_wait3A_75 = arith.constant 32 : i32
    %dma_wait3A_76 = tpu.memref_slice %arg5[%mul3A_69, %dma_wait3A_75] : memref<819200x128xf32, #tpu.memory_space<hbm>> -> memref<400x32xf32, #tpu.memory_space<hbm>>
    %dma_wait3A_77 = arith.constant 32 : i32
    %dma_wait3A_78 = tpu.memref_slice %arg5[%mul3A_69, %dma_wait3A_77] : memref<819200x128xf32, #tpu.memory_space<hbm>> -> memref<400x32xf32, #tpu.memory_space<hbm>>
    %dma_wait3A_79 = arith.constant 0 : i32
    %dma_wait3A_80 = arith.constant 0 : i32
    %dma_wait3A_81 = tpu.memref_slice %arg8[%dma_wait3A_70, %dma_wait3A_79, %dma_wait3A_80] : memref<2x400x32xf32, #tpu.memory_space<vmem>> -> memref<1x400x32xf32, #tpu.memory_space<vmem>>
    %dma_wait3A_82 = tpu.memref_squeeze %dma_wait3A_81 : memref<1x400x32xf32, #tpu.memory_space<vmem>> -> memref<400x32xf32, #tpu.memory_space<vmem>>
    tpu.wait_dma2 semaphore(%arg28 : memref<!tpu.dma_semaphore, #tpu.memory_space<semaphore_mem>>) src(%dma_wait3A_82 : memref<400x32xf32, #tpu.memory_space<vmem>>) dst(%dma_wait3A_78 : memref<400x32xf32, #tpu.memory_space<hbm>>)
    return
  }
}

</mosaic_0001>

<sc_bundles>
// kernel: _gather_rows.3.cloned.1.call-start
scs
__scs_entry_jumppad:
0x0: {  	(pc) =	sbr.rel $0x88, $3  }
0x1: {  	(tag) =	ssettag $0x0;
	lr =	simm.s32 $0x1  }
0x2: {  	[smem:$0x3F9E] =	sst lr;
	_ =	strace $0xD0000000  }
0x3: {  	_ = 	snop  }
0x4: {  	_ = 	snop  }
0x5: {  	_ = 	snop  }
0x6: {  	_ = 	snop  }
0x7: {  	_ = 	snop  }
__scs_overlays_trampoline_lowered:
0x8: {  	[smem:$0x3FAD] =	sst s0  }
0x9: {  	[smem:$0x3FAE] =	sst s1  }
0xa: {  	[smem:$0x3FAF] =	sst s2  }
0xb: {  	[smem:$0x3FB0] =	sst s3  }
0xc: {  	[smem:$0x3FB1] =	sst s4  }
0xd: {  	[smem:$0x3FB2] =	sst s5  }
0xe: {  	[smem:$0x3FB3] =	sst s6  }
0xf: {  	[smem:$0x3FB4] =	sst s7  }
0x10: {  	[smem:$0x3FB5] =	sst s8  }
0x11: {  	[smem:$0x3FB6] =	sst s9;
	s0 =	simm.s32 @!p0 $0x0  }
0x12: {  	s1 =	sld [smem:$0x3F9C];
	s0 =	simm.s32 @p0 $0x1  }
0x13: {  	[smem:$0x3FB7] =	sst s0;
	s0 =	simm.s32 @!p1 $0x0  }
0x14: {  	s2 =	sld [smem:$0x3F9B];
	s0 =	simm.s32 @p1 $0x1  }
0x15: {  	[smem:$0x3FB8] =	sst s0;
	s0 =	simm.s32 @!p2 $0x0  }
0x16: {  	s3 =	sld [smem:$0x3FDB];
	s0 =	simm.s32 @p2 $0x1  }
0x17: {  	s4 =	simm.s32 $0x1BF5;
	[smem:$0x3FBA] =	sst s0  }
0x18: {  	s0 =	sld [smem:$0x3F9D];
	_ =	swait.ge [sflag:s4], $0x0  }
0x19: {  	s7 =	sld [smem:$0x3F9E]  }
0x1a: {  	s8 =	sadd.s32 $0xFFFFE003, lr  }
0x1b: {  	s9 =	sadd.s32 $0xFFFFFEF7, lr;
	s5 =	simm.s32 $0xFFFFFFFF;
	p2 =	slt.u32 s8, $0xFFFFF086  }
0x1c: {  	p1 =	slt.u32 s9, $0xF7A;
	s5 =	simm.s32 @!p2 $0x0  }
0x1d: {  	s5 =	simm.s32 @p1 $0x1;
	p0 =	seq.s32 s7, s2  }
0x1e: {  	s7 =	smul.u32 @!p0 $0xF7A, s2;
	p2 =	seq.s32 @!p0 s5, $0x0  }
0x1f: {  	s9 =	smul.u32 $0xF7A, s1;
	s8 =	simm.s32 @!p0 $0x1BF5;
	p2 =	por !p2, p0  }
0x20: {  	[sflag:s8] =	ssyncset.s32 @!p0 $0xFFFFF086;
	s6 =	sadd.s32 @!p0 s3, s7;
	s7 =	simm.s32 @!p0 $0x108  }
0x21: {  	s3 =	sadd.s32 s3, s9;
	s6 =	sadd.s32 @!p0 $0x88, s6;
	s7 =	simm.s32 @p2 $0x1082  }
0x22: {  	[simem:s7], [sflag:s8] =	dma.local @!p0 [hbm:s6], $0xF7A  }
0x23: {  	s9 =	sor.u32 $0xD0000000, s2;
	s6 =	simm.s32 $0x108;
	_ =	swait.ge @!p0 [sflag:s8], $0x0  }
0x24: {  	s3 =	sadd.s32 $0x88, s3;
	s6 =	simm.s32 @!p1 $0x1082;
	[sflag:s4] =	ssyncset.s32 $0xFFFFF086  }
0x25: {  	[simem:s6], [sflag:s4] =	dma.local [hbm:s3], $0xF7A  }
0x26: {  	[smem:$0x3F9E] =	sst s1;
	(tag) =	ssettag s2;
	_ =	strace s9  }
0x27: {  	s1 =	sld [smem:$0x3FAE]  }
0x28: {  	s2 =	sld [smem:$0x3FAF]  }
0x29: {  	s4 =	sld [smem:$0x3FB1]  }
0x2a: {  	p0 =	seq.s32 s5, $0x0;
	s5 =	sld [smem:$0x3FB2]  }
0x2b: {  	s6 =	sld [smem:$0x3FB3]  }
0x2c: {  	s7 =	sld [smem:$0x3FB4]  }
0x2d: {  	s3 =	simm.s32 $0x108;
	s8 =	sld [smem:$0x3FB5]  }
0x2e: {  	s3 =	simm.s32 @!p0 $0x1082;
	s9 =	sld [smem:$0x3FB6]  }
0x2f: {  	lr =	sadd.s32 s0, s3;
	s0 =	sld [smem:$0x3FAD]  }
0x30: {  	s3 =	sld [smem:$0x3FB0]  }
0x31: {  	[smem:$0x3FB9] =	sst s10  }
0x32: {  	s10 =	sld [smem:$0x3FB7];
	_ =	sdelay $0x3  }
0x33: {  	p0 =	seq.s32 s10, $0x1;
	s10 =	sld [smem:$0x3FB9];
	_ =	sdelay $0x3  }
0x34: {  	[smem:$0x3FB9] =	sst s10  }
0x35: {  	s10 =	sld [smem:$0x3FB8];
	_ =	sdelay $0x3  }
0x36: {  	p1 =	seq.s32 s10, $0x1;
	s10 =	sld [smem:$0x3FB9];
	_ =	sdelay $0x3  }
0x37: {  	[smem:$0x3FB9] =	sst s10  }
0x38: {  	s10 =	sld [smem:$0x3FBA]  }
0x39: {  	_ = 	snop;
	(pc) =	sbr.ind lr, $3  }
0x3a: {  	_ = 	snop  }
0x3b: {  	_ = 	snop  }
0x3c: {  	p2 =	seq.s32 s10, $0x1;
	s10 =	sld [smem:$0x3FB9]  }
0x3d: {  	_ =	shalt  }
0x3e: {  	_ =	shalt  }
0x3f: {  	_ =	shalt  }
0x40: {  	_ =	shalt  }
0x41: {  	_ =	shalt  }
0x42: {  	_ =	shalt  }
0x43: {  	_ =	shalt  }
0x44: {  	_ =	shalt  }
0x45: {  	_ =	shalt  }
0x46: {  	_ =	shalt  }
0x47: {  	_ =	shalt  }
0x48: {  	_ =	shalt  }
0x49: {  	_ =	shalt  }
0x4a: {  	_ =	shalt  }
0x4b: {  	_ =	shalt  }
0x4c: {  	_ =	shalt  }
0x4d: {  	_ =	shalt  }
0x4e: {  	_ =	shalt  }
0x4f: {  	_ =	shalt  }
0x50: {  	_ =	shalt  }
0x51: {  	_ =	shalt  }
0x52: {  	_ =	shalt  }
0x53: {  	_ =	shalt  }
0x54: {  	_ =	shalt  }
0x55: {  	_ =	shalt  }
0x56: {  	_ =	shalt  }
0x57: {  	_ =	shalt  }
0x58: {  	_ =	shalt  }
0x59: {  	_ =	shalt  }
0x5a: {  	_ =	shalt  }
0x5b: {  	_ =	shalt  }
0x5c: {  	_ =	shalt  }
0x5d: {  	_ =	shalt  }
0x5e: {  	_ =	shalt  }
0x5f: {  	_ =	shalt  }
0x60: {  	_ =	shalt  }
0x61: {  	_ =	shalt  }
0x62: {  	_ =	shalt  }
0x63: {  	_ =	shalt  }
0x64: {  	_ =	shalt  }
0x65: {  	_ =	shalt  }
0x66: {  	_ =	shalt  }
0x67: {  	_ =	shalt  }
0x68: {  	_ =	shalt  }
0x69: {  	_ =	shalt  }
0x6a: {  	_ =	shalt  }
0x6b: {  	_ =	shalt  }
0x6c: {  	_ =	shalt  }
0x6d: {  	_ =	shalt  }
0x6e: {  	_ =	shalt  }
0x6f: {  	_ =	shalt  }
0x70: {  	_ =	shalt  }
0x71: {  	_ =	shalt  }
0x72: {  	_ =	shalt  }
0x73: {  	_ =	shalt  }
0x74: {  	_ =	shalt  }
0x75: {  	_ =	shalt  }
0x76: {  	_ =	shalt  }
0x77: {  	_ =	shalt  }
0x78: {  	_ =	shalt  }
0x79: {  	_ =	shalt  }
0x7a: {  	_ =	shalt  }
0x7b: {  	_ =	shalt  }
0x7c: {  	_ =	shalt  }
0x7d: {  	_ =	shalt  }
0x7e: {  	_ =	shalt  }
0x7f: {  	_ =	shalt  }
0x80: {  	_ =	shalt  }
0x81: {  	_ =	shalt  }
0x82: {  	_ =	shalt  }
0x83: {  	_ =	shalt  }
0x84: {  	_ =	shalt  }
0x85: {  	_ =	shalt  }
0x86: {  	_ =	shalt  }
0x87: {  	_ =	shalt  }
.Lfunc_end0:
.L_simem_size_0:
called_computation_lowered:
.L_overlay_start_0:
0x88: {  	s2 =	sld [smem:$0x3FD9]  }
0x89: {  	s3 =	sld [smem:$0x3FFE];
	_ =	sdelay $0x1  }
0x8a: {  	s1 =	srdreg.scid  }
0x8b: {  	s0 =	sand.u32 $0x1, s1  }
0x8c: {  	s17 =	sshll.u32 s0, $0xA;
	s2 =	sadd.s32 s3, s2  }
0x8d: {  	s2 =	sadd.s32 s2, s17  }
0x8e: {  	[smem:$0x3FC5] =	sst s2  }
0x8f: {  	_ = 	snop  }
0x90: {  	s2 =	sld [smem:$0x3FD0];
	(tm) =	ssettm $0x1  }
0x91: {  	s18 =	sld [smem:$0x3FFB];
	_ =	sdelay $0x3  }
0x92: {  	_ =	strace s18  }
0x93: {  	s3 =	sld [smem:$0x3FFC];
	_ =	sdelay $0x3  }
0x94: {  	_ =	strace s3  }
0x95: {  	s3 =	sld [smem:$0x3FFD];
	_ =	sdelay $0x3  }
0x96: {  	_ =	strace s3  }
0x97: {  	_ =	strace $0x8FFFFFFF  }
0x98: {  	s19 =	sld [smem:$0x3FDB];
	_ =	sdelay $0x1  }
0x99: {  	s4 =	simm.s32 $_scs_section_size  }
0x9a: {  	s5 =	simm.s32 $_size__tile_overlayer_lowered;
	s6 =	simm.s32 $_tile_overlayer_lowered  }
0x9b: {  	s22 =	simm.s32 $0x1BFF;
	s21 =	sshll.u32 s6, $0x1;
	s3 =	sadd.s32 s4, s19  }
0x9c: {  	s7 =	simm.s32 $0x0;
	s20 =	sshll.u32 s5, $0x1;
	s5 =	sadd.s32 s21, s3  }
0x9d: {  	[timem:s7], [sflag:s22] =	dma.local [hbm:s5], s20  }
0x9e: {  	_ =	swait.ge [sflag:s22], s20  }
0x9f: {  	s4 =	ssub.s32 $0x0, s20;
	[sflag:s22] =	ssyncset.done $0x0  }
0xa0: {  	[sflag:s22] =	ssyncadd.s32 s4;
	_ =	sdelay $0x1  }
0xa1: {  	s23 =	simm.s32 $0x1B8B  }
0xa2: {  	_ =	swait.ge [sflag:s23], $0x1  }
0xa3: {  	[sflag:s23] =	ssyncset.done $0x0  }
0xa4: {  	s25 =	simm.s32 $0x1B8E;
	s24 =	sld [smem:$0x3FFE];
	[sflag:s23] =	ssyncadd.s32 $0xFFFFFFFF  }
0xa5: {  	s26 =	simm.s32 $execute0_lowered;
	[smem:$0x3FD2] =	sst s25  }
0xa6: {  	s5 =	sshll.u32 s26, $0x1;
	_ =	strace $0x80000046;
	[dreg:$0x1] =	wrdreg $0xFFFFFFFF  }
0xa7: {  	s28 =	simm.s32 $_size_execute0_lowered;
	s3 =	sadd.s32 s3, s5;
	[dreg:$0x0] =	wrdreg $0x0  }
0xa8: {  	s5 =	sshll.u32 s28, $0x1;
	[dreg:$0x2] =	wrdreg s3  }
0xa9: {  	[dreg:$0x3] =	wrdreg s5  }
0xaa: {  	[dreg:$0x4] =	wrdreg $0xC0  }
0xab: {  	_ =	task [dreg:s7], $0x5FFFF  }
0xac: {  	[dreg:$0x1] =	wrdreg $0xFFFFFFFF  }
0xad: {  	[dreg:$0x0] =	wrdreg $0x60  }
0xae: {  	[dreg:$0x2] =	wrdreg s24  }
0xaf: {  	[dreg:$0x3] =	wrdreg s2  }
0xb0: {  	[dreg:$0x4] =	wrdreg $0x9  }
0xb1: {  	_ =	task.clear_ibuf [dreg:s7], $0x5FFFF;
	_ =	strace $0x90000046  }
0xb2: {  	s29 =	simm.s32 $0x9;
	_ =	strace $0x80000048  }
0xb3: {  	_ =	swait.ge [sflag:s29], $0x1  }
0xb4: {  	[sflag:s29] =	ssyncadd.s32 $0xFFFFFFFF  }
0xb5: {  	_ =	strace $0x90000048  }
0xb6: {  	_ =	sfence  }
0xb7: {  	s30 =	sld [smem:$0x0];
	_ =	sdelay $0x2  }
0xb8: {  	s31 =	sshll.u32 s1, $0xD;
	s1 =	sshrl.u32 s1, $0x2  }
0xb9: {  	s3 =	sand.u32 $0x4000, s31;
	s1 =	sadd.s32 s1, s30  }
0xba: {  	s0 =	sor.u32 s3, s0;
	s1 =	sshll.u32 s1, $0x11  }
0xbb: {  	s0 =	sor.u32 s1, s0  }
0xbc: {  	s0 =	sadd.s32 $0x8F2B, s0  }
0xbd: {  	[sflag:s0] =	ssyncadd.remote.s32 $0x1  }
0xbe: {  	_ =	sfence.sel $0xFFFF  }
0xbf: {  	[dreg:$0x0] =	wrdreg $0xFFFFFFFF;
	(pc) =	sbr.abs _section_cstart, $3  }
0xc0: {  	[dreg:$0x1] =	wrdreg $0xFFFFFFFF  }
0xc1: {  	_ =	task.clear_ibuf [dreg:s7], $0x2FFFF;
	_ =	strace $0x9FFFFFFF  }
0xc2: {  	(tm) =	ssettm $0x7FFFFFFF  }
0xc3: {  	_ =	shalt  }
tec
execute0_lowered:
.L_overlay_start_1:
0x0: {  	(tag) =	ssettag $0x1  }
0x1: {  	s0 =	srdreg.scid  }
0x2: {  	s4 =	stileid.u32;
	s1 =	rddreg [dreg:$0x0]  }
0x3: {  	s5 =	rddreg [dreg:$0x1];
	s8 =	simm.s32 $0x0;
	s14 =	simm.s32 $0x7000  }
0x4: {  	s15 =	simm.s32 $0xD400;
	s17 =	simm.s32 $0x7D00;
	[smem:$0x7FF] =	sst s8  }
0x5: {  	s18 =	simm.s32 $0xE100;
	_ =	strace $0x80000047;
	[dreg:$0x3] =	wrdreg s14  }
0x6: {  	s19 =	simm.s32 $0x8900;
	s20 =	simm.s32 $0xED00;
	[dreg:$0x4] =	wrdreg s15  }
0x7: {  	s21 =	simm.s32 $0xA200;
	s22 =	simm.s32 $0x10600;
	[dreg:$0x5] =	wrdreg s17  }
0x8: {  	s23 =	simm.s32 $0xAF00;
	s24 =	simm.s32 $0x11300;
	[dreg:$0x6] =	wrdreg s18  }
0x9: {  	s25 =	simm.s32 $0xBB00;
	s26 =	simm.s32 $0x11F00;
	[dreg:$0x7] =	wrdreg s19  }
0xa: {  	s28 =	simm.s32 $0x5;
	s29 =	simm.s32 $0xD;
	[dreg:$0x8] =	wrdreg s20  }
0xb: {  	s30 =	simm.s32 $0x6;
	s31 =	simm.s32 $0xE;
	[dreg:$0x9] =	wrdreg s21  }
0xc: {  	s0 =	sand.u32 $0x1, s0;
	s2 =	sshll.u32 s4, $0x8;
	[dreg:$0xa] =	wrdreg s22  }
0xd: {  	s6 =	smul.u32 $0x640000, s4;
	s4 =	sadd.s32 $0xF42A00, s1;
	[dreg:$0xb] =	wrdreg s23  }
0xe: {  	s8 =	simm.s32 $0x0;
	s3 =	sshll.u32 s0, $0x7;
	[dreg:$0xc] =	wrdreg s24  }
0xf: {  	s7 =	smul.u32 $0x320000, s0;
	s0 =	ssub.s32 $0x2, s0;
	[dreg:$0xd] =	wrdreg s25  }
0x10: {  	s14 =	simm.s32 $0x68;
	[dreg:$0xe] =	wrdreg s26;
	s22 =	simm.s32 $0xB  }
0x11: {  	s23 =	simm.s32 $0x4;
	s24 =	simm.s32 $0xC;
	s25 =	simm.s32 $0x20  }
0x12: {  	s26 =	simm.s32 $0x80;
	s21 =	simm.s32 $0xFA00;
	s19 =	simm.s32 $0xC800  }
0x13: {  	s20 =	simm.s32 $0x9600;
	s2 =	sor.u32 s3, s2;
	s9 =	sshrl.u32 s0, $0x1  }
0x14: {  	s2 =	smul.u32 $0x19, s2;
	s6 =	sadd.s32 s7, s6;
	s0 =	ssub.s32 s0, s9  }
0x15: {  	s3 =	sadd.s32 $0x1313400, s1;
	s10 =	sor.u32 $0xC800, s6;
	s0 =	smax.u32 s0, $0x1  }
0x16: {  	s12 =	sor.u32 $0xC820, s6;
	s16 =	sshrl.u32 s6, $0x3;
	s1 =	sadd.s32 s2, s1  }
0x17: {  	[dreg:$0x10] =	wrdreg s0;
	s11 =	sshrl.u32 s10, $0x3;
	s1 =	sadd.s32 $0x600, s1  }
0x18: {  	s13 =	sshrl.u32 s12, $0x3;
	s0 =	sadd.s32 s11, s5;
	[dreg:$0xf] =	wrdreg s1  }
0x19: {  	s2 =	simm.s32 $0x8;
	s11 =	simm.s32 $0x60;
	[dreg:$0x11] =	wrdreg s0  }
0x1a: {  	s0 =	sadd.s32 s13, s5;
	s1 =	sadd.s32 s16, s5;
	s13 =	simm.s32 $0xFA00  }
0x1b: {  	s5 =	simm.s32 $0x10;
	[dreg:$0x12] =	wrdreg s0;
	s1 =	sadd.s32 $0x4, s1  }
0x1c: {  	s0 =	simm.s32 $0xF;
	[dreg:$0x13] =	wrdreg s1;
	s1 =	simm.s32 $0x7  }
.LBB2_1:
0x1d: {  	[dreg:$0x14] =	wrdreg s8  }
0x1e: {  	s6 =	simm.s32 $0x0;
	s7 =	rddreg [dreg:$0xf];
	s10 =	simm.s32 $0x15  }
0x1f: {  	[tilespmem:s6], [sflag:$0x15] =	stream.linear.gather [hbm4b:s7+s6], $0x6400, $0x38;
	[tilespmem:$0x12C00] =	vst v63  }
0x20: {  	_ =	swait.ge [sflag:s10], $0x6400  }
0x21: {  	p0 =	por $0x1, $0x1;
	[sflag:s10] =	ssyncset.done $0x0  }
0x22: {  	s6 =	simm.s32 @!p0 $0x11;
	[sflag:s10] =	ssyncadd.s32 $0xFFFF9C00  }
0x23: {  	_ =	swait.ge @!p0 [sflag:s6], $0x3200  }
0x24: {  	[sflag:s6] =	ssyncset.done @!p0 $0x0  }
0x25: {  	[sflag:s6] =	ssyncadd.s32 @!p0 $0xFFFFCE00;
	s6 =	simm.s32 @!p0 $0x13  }
0x26: {  	_ =	swait.ge @!p0 [sflag:s6], $0x3200  }
0x27: {  	[sflag:s6] =	ssyncset.done @!p0 $0x0  }
0x28: {  	s12 =	simm.s32 $0x0;
	s9 =	simm.s32 $0x6400;
	[sflag:s6] =	ssyncadd.s32 @!p0 $0xFFFFCE00  }
0x29: {  	[tilespmem:s9], [sflag:$0x1] =	stream.indirect.gather [hbm4b:s3+s11], $0x20, s12, s11, $0xb8;
	[tilespmem:$0x12C00] =	vst v63  }
0x2a: {  	s10 =	simm.s32 $0xC800  }
0x2b: {  	[tilespmem:s10], [sflag:$0x9] =	stream.indirect.gather [hbm4b:s4+s11], $0x20, s12, s11, $0xb8;
	[tilespmem:$0x12C00] =	vst v63  }
0x2c: {  	s16 =	simm.s32 $0x60;
	s15 =	rddreg [dreg:$0x3]  }
0x2d: {  	[tilespmem:s15], [sflag:$0x2] =	stream.indirect.gather [hbm4b:s3+s14], $0x20, s16, s14, $0xb8;
	[tilespmem:$0x12C00] =	vst v63  }
0x2e: {  	s17 =	rddreg [dreg:$0x4]  }
0x2f: {  	[tilespmem:s17], [sflag:$0xA] =	stream.indirect.gather [hbm4b:s4+s14], $0x20, s16, s14, $0xb8;
	[tilespmem:$0x12C00] =	vst v63  }
0x30: {  	s18 =	rddreg [dreg:$0x5];
	s12 =	simm.s32 $0xC8  }
0x31: {  	[tilespmem:s18], [sflag:$0x3] =	stream.indirect.gather [hbm4b:s3+s11], $0x20, s12, s11, $0xb8;
	[tilespmem:$0x12C00] =	vst v63  }
0x32: {  	s15 =	rddreg [dreg:$0x6]  }
0x33: {  	[tilespmem:s15], [sflag:$0xB] =	stream.indirect.gather [hbm4b:s4+s11], $0x20, s12, s11, $0xb8;
	[tilespmem:$0x12C00] =	vst v63  }
0x34: {  	s16 =	rddreg [dreg:$0x7];
	s17 =	simm.s32 $0x128  }
0x35: {  	[tilespmem:s16], [sflag:$0x4] =	stream.indirect.gather [hbm4b:s3+s14], $0x20, s17, s14, $0xb8;
	[tilespmem:$0x12C00] =	vst v63  }
0x36: {  	s7 =	simm.s32 @!p0 $0x12;
	s18 =	rddreg [dreg:$0x8]  }
0x37: {  	[tilespmem:s18], [sflag:$0xC] =	stream.indirect.gather [hbm4b:s4+s14], $0x20, s17, s14, $0xb8;
	[tilespmem:$0x12C00] =	vst v63  }
0x38: {  	_ =	swait.ge @!p0 [sflag:s7], $0x3200  }
0x39: {  	[sflag:s7] =	ssyncset.done @!p0 $0x0  }
0x3a: {  	s6 =	simm.s32 @!p0 $0x14;
	[sflag:s7] =	ssyncadd.s32 @!p0 $0xFFFFCE00  }
0x3b: {  	_ =	swait.ge @!p0 [sflag:s6], $0x3200  }
0x3c: {  	[sflag:s6] =	ssyncset.done @!p0 $0x0  }
0x3d: {  	s8 =	simm.s32 $0x190;
	s12 =	simm.s32 $0x9600;
	[sflag:s6] =	ssyncadd.s32 @!p0 $0xFFFFCE00  }
0x3e: {  	[tilespmem:s12], [sflag:$0x5] =	stream.indirect.gather [hbm4b:s3+s11], $0x20, s8, s11, $0xb8;
	[tilespmem:$0x12C00] =	vst v63  }
0x3f: {  	_ = 	snop  }
0x40: {  	[tilespmem:s13], [sflag:$0xD] =	stream.indirect.gather [hbm4b:s4+s11], $0x20, s8, s11, $0xb8;
	[tilespmem:$0x12C00] =	vst v63  }
0x41: {  	s16 =	simm.s32 $0x1F0;
	s15 =	rddreg [dreg:$0x9]  }
0x42: {  	[tilespmem:s15], [sflag:$0x6] =	stream.indirect.gather [hbm4b:s3+s14], $0x20, s16, s14, $0xb8;
	[tilespmem:$0x12C00] =	vst v63  }
0x43: {  	s17 =	rddreg [dreg:$0xa]  }
0x44: {  	[tilespmem:s17], [sflag:$0xE] =	stream.indirect.gather [hbm4b:s4+s14], $0x20, s16, s14, $0xb8;
	[tilespmem:$0x12C00] =	vst v63  }
0x45: {  	s18 =	rddreg [dreg:$0xb];
	s13 =	simm.s32 $0x258  }
0x46: {  	[tilespmem:s18], [sflag:$0x7] =	stream.indirect.gather [hbm4b:s3+s11], $0x20, s13, s11, $0xb8;
	[tilespmem:$0x12C00] =	vst v63  }
0x47: {  	s15 =	rddreg [dreg:$0xc]  }
0x48: {  	[tilespmem:s15], [sflag:$0xF] =	stream.indirect.gather [hbm4b:s4+s11], $0x20, s13, s11, $0xb8;
	[tilespmem:$0x12C00] =	vst v63  }
0x49: {  	s16 =	rddreg [dreg:$0xd];
	s17 =	simm.s32 $0x2B8  }
0x4a: {  	[tilespmem:s16], [sflag:$0x8] =	stream.indirect.gather [hbm4b:s3+s14], $0x20, s17, s14, $0xb8;
	[tilespmem:$0x12C00] =	vst v63  }
0x4b: {  	s7 =	simm.s32 $0x1;
	s18 =	rddreg [dreg:$0xe]  }
0x4c: {  	[tilespmem:s18], [sflag:$0x10] =	stream.indirect.gather [hbm4b:s4+s14], $0x20, s17, s14, $0xb8;
	[tilespmem:$0x12C00] =	vst v63  }
0x4d: {  	_ =	swait.ge [sflag:s7], $0xC00  }
0x4e: {  	[sflag:s7] =	ssyncset.done $0x0  }
0x4f: {  	s8 =	simm.s32 $0x9;
	[sflag:s7] =	ssyncadd.s32 $0xFFFFF400  }
0x50: {  	_ =	swait.ge [sflag:s8], $0xC00  }
0x51: {  	[sflag:s8] =	ssyncset.done $0x0  }
0x52: {  	s13 =	simm.s32 $0x2;
	[sflag:s8] =	ssyncadd.s32 $0xFFFFF400  }
0x53: {  	_ =	swait.ge [sflag:s13], $0xD00  }
0x54: {  	[sflag:s13] =	ssyncset.done $0x0  }
0x55: {  	s15 =	simm.s32 $0xA;
	[sflag:s13] =	ssyncadd.s32 $0xFFFFF300  }
0x56: {  	_ =	swait.ge [sflag:s15], $0xD00  }
0x57: {  	[sflag:s15] =	ssyncset.done $0x0  }
0x58: {  	s16 =	simm.s32 $0x3;
	[sflag:s15] =	ssyncadd.s32 $0xFFFFF300  }
0x59: {  	_ =	swait.ge [sflag:s16], $0xC00  }
0x5a: {  	[sflag:s16] =	ssyncset.done $0x0  }
0x5b: {  	[sflag:s16] =	ssyncadd.s32 $0xFFFFF400  }
0x5c: {  	_ =	swait.ge [sflag:s22], $0xC00  }
0x5d: {  	[sflag:s22] =	ssyncset.done $0x0  }
0x5e: {  	[sflag:s22] =	ssyncadd.s32 $0xFFFFF400  }
0x5f: {  	_ =	swait.ge [sflag:s23], $0xD00  }
0x60: {  	[sflag:s23] =	ssyncset.done $0x0  }
0x61: {  	[sflag:s23] =	ssyncadd.s32 $0xFFFFF300  }
0x62: {  	_ =	swait.ge [sflag:s24], $0xD00  }
0x63: {  	[sflag:s24] =	ssyncset.done $0x0;
	s17 =	rddreg [dreg:$0x13]  }
0x64: {  	[sflag:s24] =	ssyncadd.s32 $0xFFFFF300;
	s18 =	sadd.s32 $0xFFFFFFFC, s17  }
0x65: {  	[hbm4b:s18+s25] =	stream.strided.scatter [tilespmem:s9], [sflag:$0x11], $0x3200, s26, s25, $0x38;
	[tilespmem:$0x12C00] =	vst v63  }
0x66: {  	_ = 	snop  }
0x67: {  	[hbm4b:s17+s25] =	stream.strided.scatter [tilespmem:s10], [sflag:$0x13], $0x3200, s26, s25, $0x38;
	[tilespmem:$0x12C00] =	vst v63  }
0x68: {  	_ =	swait.ge [sflag:s28], $0xC00  }
0x69: {  	[sflag:s28] =	ssyncset.done $0x0  }
0x6a: {  	[sflag:s28] =	ssyncadd.s32 $0xFFFFF400  }
0x6b: {  	_ =	swait.ge [sflag:s29], $0xC00  }
0x6c: {  	[sflag:s29] =	ssyncset.done $0x0  }
0x6d: {  	[sflag:s29] =	ssyncadd.s32 $0xFFFFF400  }
0x6e: {  	_ =	swait.ge [sflag:s30], $0xD00  }
0x6f: {  	[sflag:s30] =	ssyncset.done $0x0  }
0x70: {  	[sflag:s30] =	ssyncadd.s32 $0xFFFFF300  }
0x71: {  	_ =	swait.ge [sflag:s31], $0xD00  }
0x72: {  	[sflag:s31] =	ssyncset.done $0x0  }
0x73: {  	[sflag:s31] =	ssyncadd.s32 $0xFFFFF300  }
0x74: {  	_ =	swait.ge [sflag:s1], $0xC00  }
0x75: {  	[sflag:s1] =	ssyncset.done $0x0  }
0x76: {  	[sflag:s1] =	ssyncadd.s32 $0xFFFFF400  }
0x77: {  	_ =	swait.ge [sflag:s0], $0xC00  }
0x78: {  	[sflag:s0] =	ssyncset.done $0x0  }
0x79: {  	[sflag:s0] =	ssyncadd.s32 $0xFFFFF400  }
0x7a: {  	_ =	swait.ge [sflag:s2], $0xD00  }
0x7b: {  	[sflag:s2] =	ssyncset.done $0x0  }
0x7c: {  	[sflag:s2] =	ssyncadd.s32 $0xFFFFF300  }
0x7d: {  	_ =	swait.ge [sflag:s5], $0xD00  }
0x7e: {  	[sflag:s5] =	ssyncset.done $0x0  }
0x7f: {  	s7 =	rddreg [dreg:$0x11];
	[sflag:s5] =	ssyncadd.s32 $0xFFFFF300  }
0x80: {  	[hbm4b:s7+s25] =	stream.strided.scatter [tilespmem:s12], [sflag:$0x12], $0x3200, s26, s25, $0x38;
	[tilespmem:$0x12C00] =	vst v63  }
0x81: {  	p1 =	por $0x0, $0x0;
	s6 =	simm.s32 $0x1900;
	s12 =	rddreg [dreg:$0x12]  }
0x82: {  	s8 =	sadd.s32 $0x3200, s17;
	s9 =	simm.s32 $0xC80;
	s10 =	sadd.s32 $0x3200, s12  }
.LBB2_2:
0x83: {  	s13 =	simm.s32 @!p1 $0x11  }
0x84: {  	[hbm4b:s12+s25] =	stream.strided.scatter [tilespmem:s21], [sflag:$0x14], $0x3200, s26, s25, $0x38;
	[tilespmem:$0x12C00] =	vst v63  }
0x85: {  	_ =	swait.ge @!p1 [sflag:s13], $0x3200  }
0x86: {  	[sflag:s13] =	ssyncset.done @!p1 $0x0  }
0x87: {  	[sflag:s13] =	ssyncadd.s32 @!p1 $0xFFFFCE00;
	s13 =	simm.s32 @!p1 $0x13  }
0x88: {  	_ =	swait.ge @!p1 [sflag:s13], $0x3200  }
0x89: {  	[sflag:s13] =	ssyncset.done @!p1 $0x0  }
0x8a: {  	s18 =	simm.s32 $0x6400;
	[sflag:s13] =	ssyncadd.s32 @!p1 $0xFFFFCE00;
	s13 =	sshra.s32 s9, $0x2  }
0x8b: {  	[tilespmem:s18], [sflag:$0x1] =	stream.indirect.gather [hbm4b:s3+s11], $0x20, s13, s11, $0xb8;
	[tilespmem:$0x12C00] =	vst v63  }
0x8c: {  	s15 =	smov.u32 s6  }
0x8d: {  	[tilespmem:s19], [sflag:$0x9] =	stream.indirect.gather [hbm4b:s4+s11], $0x20, s13, s11, $0xb8;
	[tilespmem:$0x12C00] =	vst v63  }
0x8e: {  	s9 =	smov.u32 s15;
	s15 =	rddreg [dreg:$0x3];
	s16 =	sadd.s32 $0x60, s13  }
0x8f: {  	[tilespmem:s15], [sflag:$0x2] =	stream.indirect.gather [hbm4b:s3+s14], $0x20, s16, s14, $0xb8;
	[tilespmem:$0x12C00] =	vst v63  }
0x90: {  	s17 =	rddreg [dreg:$0x4]  }
0x91: {  	[tilespmem:s17], [sflag:$0xA] =	stream.indirect.gather [hbm4b:s4+s14], $0x20, s16, s14, $0xb8;
	[tilespmem:$0x12C00] =	vst v63  }
0x92: {  	s15 =	rddreg [dreg:$0x5];
	s16 =	sadd.s32 $0xC8, s13  }
0x93: {  	[tilespmem:s15], [sflag:$0x3] =	stream.indirect.gather [hbm4b:s3+s11], $0x20, s16, s11, $0xb8;
	[tilespmem:$0x12C00] =	vst v63  }
0x94: {  	s17 =	rddreg [dreg:$0x6]  }
0x95: {  	[tilespmem:s17], [sflag:$0xB] =	stream.indirect.gather [hbm4b:s4+s11], $0x20, s16, s11, $0xb8;
	[tilespmem:$0x12C00] =	vst v63  }
0x96: {  	s15 =	rddreg [dreg:$0x7];
	s16 =	sadd.s32 $0x128, s13  }
0x97: {  	[tilespmem:s15], [sflag:$0x4] =	stream.indirect.gather [hbm4b:s3+s14], $0x20, s16, s14, $0xb8;
	[tilespmem:$0x12C00] =	vst v63  }
0x98: {  	s17 =	rddreg [dreg:$0x8];
	s15 =	simm.s32 @!p1 $0x12  }
0x99: {  	[tilespmem:s17], [sflag:$0xC] =	stream.indirect.gather [hbm4b:s4+s14], $0x20, s16, s14, $0xb8;
	[tilespmem:$0x12C00] =	vst v63  }
0x9a: {  	_ =	swait.ge @!p1 [sflag:s15], $0x3200  }
0x9b: {  	[sflag:s15] =	ssyncset.done @!p1 $0x0  }
0x9c: {  	[sflag:s15] =	ssyncadd.s32 @!p1 $0xFFFFCE00;
	s15 =	simm.s32 @!p1 $0x14  }
0x9d: {  	_ =	swait.ge @!p1 [sflag:s15], $0x3200  }
0x9e: {  	[sflag:s15] =	ssyncset.done @!p1 $0x0  }
0x9f: {  	s17 =	sadd.s32 $0x190, s13;
	[sflag:s15] =	ssyncadd.s32 @!p1 $0xFFFFCE00  }
0xa0: {  	[tilespmem:s20], [sflag:$0x5] =	stream.indirect.gather [hbm4b:s3+s11], $0x20, s17, s11, $0xb8;
	[tilespmem:$0x12C00] =	vst v63  }
0xa1: {  	_ = 	snop  }
0xa2: {  	[tilespmem:s21], [sflag:$0xD] =	stream.indirect.gather [hbm4b:s4+s11], $0x20, s17, s11, $0xb8;
	[tilespmem:$0x12C00] =	vst v63  }
0xa3: {  	s16 =	rddreg [dreg:$0x9];
	s15 =	sadd.s32 $0x1F0, s13  }
0xa4: {  	[tilespmem:s16], [sflag:$0x6] =	stream.indirect.gather [hbm4b:s3+s14], $0x20, s15, s14, $0xb8;
	[tilespmem:$0x12C00] =	vst v63  }
0xa5: {  	s17 =	rddreg [dreg:$0xa]  }
0xa6: {  	[tilespmem:s17], [sflag:$0xE] =	stream.indirect.gather [hbm4b:s4+s14], $0x20, s15, s14, $0xb8;
	[tilespmem:$0x12C00] =	vst v63  }
0xa7: {  	s16 =	rddreg [dreg:$0xb];
	s15 =	sadd.s32 $0x258, s13  }
0xa8: {  	[tilespmem:s16], [sflag:$0x7] =	stream.indirect.gather [hbm4b:s3+s11], $0x20, s15, s11, $0xb8;
	[tilespmem:$0x12C00] =	vst v63  }
0xa9: {  	s17 =	rddreg [dreg:$0xc]  }
0xaa: {  	[tilespmem:s17], [sflag:$0xF] =	stream.indirect.gather [hbm4b:s4+s11], $0x20, s15, s11, $0xb8;
	[tilespmem:$0x12C00] =	vst v63  }
0xab: {  	s13 =	sadd.s32 $0x2B8, s13;
	s16 =	rddreg [dreg:$0xd]  }
0xac: {  	[tilespmem:s16], [sflag:$0x8] =	stream.indirect.gather [hbm4b:s3+s14], $0x20, s13, s14, $0xb8;
	[tilespmem:$0x12C00] =	vst v63  }
0xad: {  	s17 =	rddreg [dreg:$0xe];
	s15 =	simm.s32 $0x1  }
0xae: {  	[tilespmem:s17], [sflag:$0x10] =	stream.indirect.gather [hbm4b:s4+s14], $0x20, s13, s14, $0xb8;
	[tilespmem:$0x12C00] =	vst v63  }
0xaf: {  	_ =	swait.ge [sflag:s15], $0xC00  }
0xb0: {  	[sflag:s15] =	ssyncset.done $0x0  }
0xb1: {  	s16 =	simm.s32 $0x9;
	[sflag:s15] =	ssyncadd.s32 $0xFFFFF400  }
0xb2: {  	_ =	swait.ge [sflag:s16], $0xC00  }
0xb3: {  	[sflag:s16] =	ssyncset.done $0x0  }
0xb4: {  	s17 =	simm.s32 $0x2;
	[sflag:s16] =	ssyncadd.s32 $0xFFFFF400  }
0xb5: {  	_ =	swait.ge [sflag:s17], $0xD00  }
0xb6: {  	[sflag:s17] =	ssyncset.done $0x0  }
0xb7: {  	s15 =	simm.s32 $0xA;
	[sflag:s17] =	ssyncadd.s32 $0xFFFFF300  }
0xb8: {  	_ =	swait.ge [sflag:s15], $0xD00  }
0xb9: {  	[sflag:s15] =	ssyncset.done $0x0  }
0xba: {  	s16 =	simm.s32 $0x3;
	[sflag:s15] =	ssyncadd.s32 $0xFFFFF300  }
0xbb: {  	_ =	swait.ge [sflag:s16], $0xC00  }
0xbc: {  	[sflag:s16] =	ssyncset.done $0x0  }
0xbd: {  	[sflag:s16] =	ssyncadd.s32 $0xFFFFF400  }
0xbe: {  	_ =	swait.ge [sflag:s22], $0xC00  }
0xbf: {  	[sflag:s22] =	ssyncset.done $0x0  }
0xc0: {  	[sflag:s22] =	ssyncadd.s32 $0xFFFFF400  }
0xc1: {  	_ =	swait.ge [sflag:s23], $0xD00  }
0xc2: {  	[sflag:s23] =	ssyncset.done $0x0  }
0xc3: {  	[sflag:s23] =	ssyncadd.s32 $0xFFFFF300  }
0xc4: {  	_ =	swait.ge [sflag:s24], $0xD00  }
0xc5: {  	[sflag:s24] =	ssyncset.done $0x0  }
0xc6: {  	s17 =	sadd.s32 $0xFFFFFFFC, s8;
	[sflag:s24] =	ssyncadd.s32 $0xFFFFF300  }
0xc7: {  	[hbm4b:s17+s25] =	stream.strided.scatter [tilespmem:s18], [sflag:$0x11], $0x3200, s26, s25, $0x38;
	[tilespmem:$0x12C00] =	vst v63  }
0xc8: {  	_ = 	snop  }
0xc9: {  	[hbm4b:s8+s25] =	stream.strided.scatter [tilespmem:s19], [sflag:$0x13], $0x3200, s26, s25, $0x38;
	[tilespmem:$0x12C00] =	vst v63  }
0xca: {  	_ =	swait.ge [sflag:s28], $0xC00  }
0xcb: {  	[sflag:s28] =	ssyncset.done $0x0  }
0xcc: {  	[sflag:s28] =	ssyncadd.s32 $0xFFFFF400  }
0xcd: {  	_ =	swait.ge [sflag:s29], $0xC00  }
0xce: {  	[sflag:s29] =	ssyncset.done $0x0  }
0xcf: {  	[sflag:s29] =	ssyncadd.s32 $0xFFFFF400  }
0xd0: {  	_ =	swait.ge [sflag:s30], $0xD00  }
0xd1: {  	[sflag:s30] =	ssyncset.done $0x0  }
0xd2: {  	[sflag:s30] =	ssyncadd.s32 $0xFFFFF300  }
0xd3: {  	_ =	swait.ge [sflag:s31], $0xD00  }
0xd4: {  	[sflag:s31] =	ssyncset.done $0x0  }
0xd5: {  	[sflag:s31] =	ssyncadd.s32 $0xFFFFF300  }
0xd6: {  	_ =	swait.ge [sflag:s1], $0xC00  }
0xd7: {  	[sflag:s1] =	ssyncset.done $0x0  }
0xd8: {  	[sflag:s1] =	ssyncadd.s32 $0xFFFFF400  }
0xd9: {  	_ =	swait.ge [sflag:s0], $0xC00  }
0xda: {  	[sflag:s0] =	ssyncset.done $0x0  }
0xdb: {  	[sflag:s0] =	ssyncadd.s32 $0xFFFFF400  }
0xdc: {  	s6 =	sadd.s32 $0xC80, s6;
	_ =	swait.ge [sflag:s2], $0xD00  }
0xdd: {  	p0 =	sne.s32 s6, $0x19000;
	[sflag:s2] =	ssyncset.done $0x0  }
.Ltmp0:
0xde: {  	[sflag:s2] =	ssyncadd.s32 $0xFFFFF300;
	(pc) =	sbr.rel @p0 .LBB2_2-.Ltmp0, $4  }
0xdf: {  	s7 =	sadd.s32 $0x3200, s7;
	_ =	swait.ge [sflag:s5], $0xD00  }
0xe0: {  	s12 =	smov.u32 s10;
	s10 =	sadd.s32 $0x3200, s10;
	[sflag:s5] =	ssyncset.done $0x0  }
0xe1: {  	p1 =	seq.s32 s9, $0x0;
	s8 =	sadd.s32 $0x3200, s8;
	[sflag:s5] =	ssyncadd.s32 $0xFFFFF300  }
0xe2: {  	[hbm4b:s7+s25] =	stream.strided.scatter [tilespmem:s20], [sflag:$0x12], $0x3200, s26, s25, $0x38;
	[tilespmem:$0x12C00] =	vst v63  }
0xe3: {  	s6 =	simm.s32 @!p1 $0x11;
	s18 =	simm.s32 $0xFA00  }
0xe4: {  	[hbm4b:s12+s25] =	stream.strided.scatter [tilespmem:s18], [sflag:$0x14], $0x3200, s26, s25, $0x38;
	[tilespmem:$0x12C00] =	vst v63  }
0xe5: {  	_ =	swait.ge @!p1 [sflag:s6], $0x3200  }
0xe6: {  	[sflag:s6] =	ssyncset.done @!p1 $0x0  }
0xe7: {  	[sflag:s6] =	ssyncadd.s32 @!p1 $0xFFFFCE00;
	s6 =	simm.s32 @!p1 $0x13  }
0xe8: {  	_ =	swait.ge @!p1 [sflag:s6], $0x3200  }
0xe9: {  	[sflag:s6] =	ssyncset.done @!p1 $0x0  }
0xea: {  	s15 =	simm.s32 $0x6400;
	[sflag:s6] =	ssyncadd.s32 @!p1 $0xFFFFCE00;
	s6 =	sshra.s32 s9, $0x2  }
0xeb: {  	[tilespmem:s15], [sflag:$0x1] =	stream.indirect.gather [hbm4b:s3+s11], $0x20, s6, s11, $0xb8;
	[tilespmem:$0x12C00] =	vst v63  }
0xec: {  	s16 =	simm.s32 $0xC800  }
0xed: {  	[tilespmem:s16], [sflag:$0x9] =	stream.indirect.gather [hbm4b:s4+s11], $0x20, s6, s11, $0xb8;
	[tilespmem:$0x12C00] =	vst v63  }
0xee: {  	s12 =	rddreg [dreg:$0x3];
	s17 =	sadd.s32 $0x60, s6  }
0xef: {  	[tilespmem:s12], [sflag:$0x2] =	stream.indirect.gather [hbm4b:s3+s14], $0x20, s17, s14, $0xb8;
	[tilespmem:$0x12C00] =	vst v63  }
0xf0: {  	s13 =	rddreg [dreg:$0x4]  }
0xf1: {  	[tilespmem:s13], [sflag:$0xA] =	stream.indirect.gather [hbm4b:s4+s14], $0x20, s17, s14, $0xb8;
	[tilespmem:$0x12C00] =	vst v63  }
0xf2: {  	s9 =	rddreg [dreg:$0x5];
	s13 =	sadd.s32 $0xC8, s6  }
0xf3: {  	[tilespmem:s9], [sflag:$0x3] =	stream.indirect.gather [hbm4b:s3+s11], $0x20, s13, s11, $0xb8;
	[tilespmem:$0x12C00] =	vst v63  }
0xf4: {  	s17 =	rddreg [dreg:$0x6]  }
0xf5: {  	[tilespmem:s17], [sflag:$0xB] =	stream.indirect.gather [hbm4b:s4+s11], $0x20, s13, s11, $0xb8;
	[tilespmem:$0x12C00] =	vst v63  }
0xf6: {  	s9 =	rddreg [dreg:$0x7];
	s13 =	sadd.s32 $0x128, s6  }
0xf7: {  	[tilespmem:s9], [sflag:$0x4] =	stream.indirect.gather [hbm4b:s3+s14], $0x20, s13, s14, $0xb8;
	[tilespmem:$0x12C00] =	vst v63  }
0xf8: {  	s17 =	rddreg [dreg:$0x8];
	s9 =	simm.s32 @!p1 $0x12  }
0xf9: {  	[tilespmem:s17], [sflag:$0xC] =	stream.indirect.gather [hbm4b:s4+s14], $0x20, s13, s14, $0xb8;
	[tilespmem:$0x12C00] =	vst v63  }
0xfa: {  	_ =	swait.ge @!p1 [sflag:s9], $0x3200  }
0xfb: {  	[sflag:s9] =	ssyncset.done @!p1 $0x0  }
0xfc: {  	[sflag:s9] =	ssyncadd.s32 @!p1 $0xFFFFCE00;
	s9 =	simm.s32 @!p1 $0x14  }
0xfd: {  	_ =	swait.ge @!p1 [sflag:s9], $0x3200  }
0xfe: {  	[sflag:s9] =	ssyncset.done @!p1 $0x0  }
0xff: {  	s13 =	sadd.s32 $0x190, s6;
	s17 =	simm.s32 $0x9600;
	[sflag:s9] =	ssyncadd.s32 @!p1 $0xFFFFCE00  }
0x100: {  	[tilespmem:s17], [sflag:$0x5] =	stream.indirect.gather [hbm4b:s3+s11], $0x20, s13, s11, $0xb8;
	[tilespmem:$0x12C00] =	vst v63  }
0x101: {  	_ = 	snop  }
0x102: {  	[tilespmem:s18], [sflag:$0xD] =	stream.indirect.gather [hbm4b:s4+s11], $0x20, s13, s11, $0xb8;
	[tilespmem:$0x12C00] =	vst v63  }
0x103: {  	s12 =	rddreg [dreg:$0x9];
	s9 =	sadd.s32 $0x1F0, s6  }
0x104: {  	[tilespmem:s12], [sflag:$0x6] =	stream.indirect.gather [hbm4b:s3+s14], $0x20, s9, s14, $0xb8;
	[tilespmem:$0x12C00] =	vst v63  }
0x105: {  	s13 =	rddreg [dreg:$0xa]  }
0x106: {  	[tilespmem:s13], [sflag:$0xE] =	stream.indirect.gather [hbm4b:s4+s14], $0x20, s9, s14, $0xb8;
	[tilespmem:$0x12C00] =	vst v63  }
0x107: {  	s12 =	rddreg [dreg:$0xb];
	s9 =	sadd.s32 $0x258, s6  }
0x108: {  	[tilespmem:s12], [sflag:$0x7] =	stream.indirect.gather [hbm4b:s3+s11], $0x20, s9, s11, $0xb8;
	[tilespmem:$0x12C00] =	vst v63  }
0x109: {  	s13 =	rddreg [dreg:$0xc]  }
0x10a: {  	[tilespmem:s13], [sflag:$0xF] =	stream.indirect.gather [hbm4b:s4+s11], $0x20, s9, s11, $0xb8;
	[tilespmem:$0x12C00] =	vst v63  }
0x10b: {  	s6 =	sadd.s32 $0x2B8, s6;
	s12 =	rddreg [dreg:$0xd]  }
0x10c: {  	[tilespmem:s12], [sflag:$0x8] =	stream.indirect.gather [hbm4b:s3+s14], $0x20, s6, s14, $0xb8;
	[tilespmem:$0x12C00] =	vst v63  }
0x10d: {  	s13 =	rddreg [dreg:$0xe];
	s9 =	simm.s32 $0x1  }
0x10e: {  	[tilespmem:s13], [sflag:$0x10] =	stream.indirect.gather [hbm4b:s4+s14], $0x20, s6, s14, $0xb8;
	[tilespmem:$0x12C00] =	vst v63  }
0x10f: {  	_ =	swait.ge [sflag:s9], $0xC00  }
0x110: {  	[sflag:s9] =	ssyncset.done $0x0  }
0x111: {  	s12 =	simm.s32 $0x9;
	[sflag:s9] =	ssyncadd.s32 $0xFFFFF400  }
0x112: {  	_ =	swait.ge [sflag:s12], $0xC00  }
0x113: {  	[sflag:s12] =	ssyncset.done $0x0  }
0x114: {  	s13 =	simm.s32 $0x2;
	[sflag:s12] =	ssyncadd.s32 $0xFFFFF400  }
0x115: {  	_ =	swait.ge [sflag:s13], $0xD00  }
0x116: {  	[sflag:s13] =	ssyncset.done $0x0  }
0x117: {  	s9 =	simm.s32 $0xA;
	[sflag:s13] =	ssyncadd.s32 $0xFFFFF300  }
0x118: {  	_ =	swait.ge [sflag:s9], $0xD00  }
0x119: {  	[sflag:s9] =	ssyncset.done $0x0  }
0x11a: {  	s12 =	simm.s32 $0x3;
	[sflag:s9] =	ssyncadd.s32 $0xFFFFF300  }
0x11b: {  	_ =	swait.ge [sflag:s12], $0xC00  }
0x11c: {  	[sflag:s12] =	ssyncset.done $0x0  }
0x11d: {  	[sflag:s12] =	ssyncadd.s32 $0xFFFFF400  }
0x11e: {  	_ =	swait.ge [sflag:s22], $0xC00  }
0x11f: {  	[sflag:s22] =	ssyncset.done $0x0  }
0x120: {  	[sflag:s22] =	ssyncadd.s32 $0xFFFFF400  }
0x121: {  	_ =	swait.ge [sflag:s23], $0xD00  }
0x122: {  	[sflag:s23] =	ssyncset.done $0x0  }
0x123: {  	[sflag:s23] =	ssyncadd.s32 $0xFFFFF300  }
0x124: {  	_ =	swait.ge [sflag:s24], $0xD00  }
0x125: {  	[sflag:s24] =	ssyncset.done $0x0  }
0x126: {  	s13 =	sadd.s32 $0xFFFFFFFC, s8;
	[sflag:s24] =	ssyncadd.s32 $0xFFFFF300  }
0x127: {  	[hbm4b:s13+s25] =	stream.strided.scatter [tilespmem:s15], [sflag:$0x11], $0x3200, s26, s25, $0x38;
	[tilespmem:$0x12C00] =	vst v63  }
0x128: {  	_ = 	snop  }
0x129: {  	[hbm4b:s8+s25] =	stream.strided.scatter [tilespmem:s16], [sflag:$0x13], $0x3200, s26, s25, $0x38;
	[tilespmem:$0x12C00] =	vst v63  }
0x12a: {  	_ =	swait.ge [sflag:s28], $0xC00  }
0x12b: {  	[sflag:s28] =	ssyncset.done $0x0  }
0x12c: {  	[sflag:s28] =	ssyncadd.s32 $0xFFFFF400  }
0x12d: {  	_ =	swait.ge [sflag:s29], $0xC00  }
0x12e: {  	[sflag:s29] =	ssyncset.done $0x0  }
0x12f: {  	[sflag:s29] =	ssyncadd.s32 $0xFFFFF400  }
0x130: {  	_ =	swait.ge [sflag:s30], $0xD00  }
0x131: {  	[sflag:s30] =	ssyncset.done $0x0  }
0x132: {  	[sflag:s30] =	ssyncadd.s32 $0xFFFFF300  }
0x133: {  	_ =	swait.ge [sflag:s31], $0xD00  }
0x134: {  	[sflag:s31] =	ssyncset.done $0x0  }
0x135: {  	[sflag:s31] =	ssyncadd.s32 $0xFFFFF300  }
0x136: {  	_ =	swait.ge [sflag:s1], $0xC00  }
0x137: {  	[sflag:s1] =	ssyncset.done $0x0  }
0x138: {  	[sflag:s1] =	ssyncadd.s32 $0xFFFFF400  }
0x139: {  	_ =	swait.ge [sflag:s0], $0xC00  }
0x13a: {  	[sflag:s0] =	ssyncset.done $0x0  }
0x13b: {  	[sflag:s0] =	ssyncadd.s32 $0xFFFFF400  }
0x13c: {  	_ =	swait.ge [sflag:s2], $0xD00  }
0x13d: {  	[sflag:s2] =	ssyncset.done $0x0  }
0x13e: {  	[sflag:s2] =	ssyncadd.s32 $0xFFFFF300  }
0x13f: {  	_ =	swait.ge [sflag:s5], $0xD00  }
0x140: {  	[sflag:s5] =	ssyncset.done $0x0  }
0x141: {  	s9 =	sadd.s32 $0x3200, s7;
	[sflag:s5] =	ssyncadd.s32 $0xFFFFF300  }
0x142: {  	[hbm4b:s9+s25] =	stream.strided.scatter [tilespmem:s17], [sflag:$0x12], $0x3200, s26, s25, $0x38;
	[tilespmem:$0x12C00] =	vst v63  }
0x143: {  	_ = 	snop  }
0x144: {  	[hbm4b:s10+s25] =	stream.strided.scatter [tilespmem:s18], [sflag:$0x14], $0x3200, s26, s25, $0x38;
	[tilespmem:$0x12C00] =	vst v63  }
0x145: {  	s10 =	simm.s32 $0x11  }
0x146: {  	_ =	swait.ge [sflag:s10], $0x3200  }
0x147: {  	[sflag:s10] =	ssyncset.done $0x0  }
0x148: {  	s12 =	simm.s32 $0x13;
	[sflag:s10] =	ssyncadd.s32 $0xFFFFCE00  }
0x149: {  	_ =	swait.ge [sflag:s12], $0x3200  }
0x14a: {  	[sflag:s12] =	ssyncset.done $0x0  }
0x14b: {  	s15 =	simm.s32 $0x12;
	[sflag:s12] =	ssyncadd.s32 $0xFFFFCE00  }
0x14c: {  	_ =	swait.ge [sflag:s15], $0x3200  }
0x14d: {  	[sflag:s15] =	ssyncset.done $0x0  }
0x14e: {  	s16 =	simm.s32 $0x14;
	[sflag:s15] =	ssyncadd.s32 $0xFFFFCE00  }
0x14f: {  	_ =	swait.ge [sflag:s16], $0x3200  }
0x150: {  	s17 =	rddreg [dreg:$0x14]  }
0x151: {  	s18 =	rddreg [dreg:$0x10];
	s8 =	sadd.s32 $0x1, s17  }
0x152: {  	p0 =	sne.s32 s8, s18  }
.Ltmp1:
0x153: {  	_ = 	snop;
	(pc) =	sbr.rel @p0 .LBB2_1-.Ltmp1, $3  }
0x154: {  	_ =	sdelay $0x1  }
0x155: {  	[sflag:s16] =	ssyncset.done $0x0  }
0x156: {  	s13 =	simm.s32 $0xFA00;
	[sflag:s16] =	ssyncadd.s32 $0xFFFFCE00  }
0x157: {  	_ =	sfence.sel $0x180000  }
0x158: {  	[bflag:$0x0] =	sbarrier.arrive $0xFFFF  }
0x159: {  	_ =	strace $0x90000047  }
0x15a: {  	s0 =	stileid.u32;
	[bflag:$0x2] =	sbarrier.arrive $0xFFFF  }
0x15b: {  	p0 =	sne.s32 s0, $0x0;
	s0 =	rddreg [dreg:$0x2]  }
0x15c: {  	s0 =	sadd.s32 @!p0 $0x100000, s0  }
0x15d: {  	[sflag:s0] =	ssyncadd.tile.s32 @!p0 $0x1;
	_ =	shalt  }
.Lfunc_end2:
_tile_overlayer_lowered:
.L_overlay_start_2:
0x15e: {  	(tag) =	ssettag $0x2  }
0x15f: {  	s0 =	rddreg [dreg:$0x0];
	s2 =	stileid.u32  }
0x160: {  	s1 =	rddreg [dreg:$0x1];
	p0 =	sne.s32 s2, $0x0  }
0x161: {  	s3 =	rddreg [dreg:$0x2];
	[bflag:$0x3] =	sbarrier.arrive $0xFFFF;
	s2 =	simm.s32 @!p0 $0x1C15  }
0x162: {  	[timem:s3], [sflag:s2] =	dma.local @!p0 [hbm:s0], s1  }
0x163: {  	s0 =	simm.s32 @!p0 $0x15  }
0x164: {  	_ =	swait.ge @!p0 [sflag:s0], s1  }
0x165: {  	s1 =	ssub.s32 @!p0 $0x0, s1;
	[sflag:s0] =	ssyncset.done @!p0 $0x0  }
0x166: {  	[sflag:s0] =	ssyncadd.s32 @!p0 s1  }
0x167: {  	[bflag:$0x3] =	sbarrier.arrive $0xFFFF  }
0x168: {  	_ =	shalt  }

</sc_bundles>
